<compile_context>
chip_gen: v7x
topology: tpu7x:2x2x1
jax: 0.10.2.dev20260603
libtpu: 0.0.44.dev20260713+nightly
codegen_flags: <defaults>
</compile_context>

<pallas_src>
import functools

import jax
import jax.numpy as jnp
from jax import lax
from jax.experimental import pallas as pl
from jax.experimental.pallas import tpu as pltpu
from jax.experimental.pallas import tpu_sc as plsc

D = 128
NC = 2
NS = 16
NW = NC * NS
CHUNK = 64
NBUF = 10


def _embed_body(n_chunks, table_hbm, idx_hbm, out_hbm, idx_v, rows_v, *sems):
    gsem = sems[:NBUF]
    ssem = sems[NBUF:]
    n_super = n_chunks // NBUF
    c = lax.axis_index("c")
    s = lax.axis_index("s")
    wid = s * NC + c
    base = wid * (n_chunks * CHUNK)
    pltpu.sync_copy(idx_hbm.at[wid], idx_v)

    def gather(j, b):
        return pltpu.make_async_copy(
            table_hbm.at[idx_v.at[j]], rows_v.at[b], gsem[b])

    def store(j, b):
        return pltpu.make_async_copy(
            rows_v.at[b], out_hbm.at[pl.ds(base + j * CHUNK, CHUNK)], ssem[b])

    for b in range(NBUF):
        gather(b, b).start()

    def gen(g, carry):
        for b in range(NBUF):
            j = g * NBUF + b
            gather(j, b).wait()
            store(j, b).start()
        for b in range(NBUF):
            j = g * NBUF + b
            store(j, b).wait()
            gather(j + NBUF, b).start()
        return carry

    lax.fori_loop(0, n_super - 1, gen, 0)

    for b in range(NBUF):
        j = (n_super - 1) * NBUF + b
        gather(j, b).wait()
        store(j, b).start()
    for b in range(NBUF):
        j = (n_super - 1) * NBUF + b
        store(j, b).wait()


def kernel(x, table):
    bsz, hist = x.shape
    n_total = bsz * hist
    assert n_total % (NW * CHUNK) == 0
    n_chunks = n_total // (NW * CHUNK)
    assert n_chunks % NBUF == 0
    idx = jnp.transpose(x).reshape(NW, n_chunks, CHUNK).astype(jnp.int32)

    run = pl.kernel(
        functools.partial(_embed_body, n_chunks),
        out_type=jax.ShapeDtypeStruct((n_total, D), table.dtype),
        mesh=plsc.VectorSubcoreMesh(core_axis_name="c", subcore_axis_name="s"),
        scratch_types=[
            pltpu.VMEM((n_chunks, CHUNK), jnp.int32),
            pltpu.VMEM((NBUF, CHUNK, D), jnp.float32),
        ] + [pltpu.SemaphoreType.DMA] * (2 * NBUF),
    )
    out = run(table, idx)
    return jnp.transpose(out.reshape(hist, bsz, D), (1, 0, 2))

# --- scband reference (transcript-rebuilt; emitter-appended) ---
"""Pipeline reference for scband-embedder-377957122169 (READ-ONLY COPY).

The authoritative reference and input builder live on the scoring server;
editing this copy changes nothing except your own understanding.
"""

import jax, jax.numpy as jnp
import numpy as np

VOCAB = 100000
D_MODEL = 128
BATCH = 4096
HIST = 50

def setup_inputs(seed: int = 0) -> dict:
    key = jax.random.key(seed)
    k1, k2 = jax.random.split(key)
    x = jax.random.randint(k1, (BATCH, HIST), 0, VOCAB, dtype=jnp.int64 if jax.config.jax_enable_x64 else jnp.int32)
    table = jax.random.normal(k2, (VOCAB, D_MODEL), dtype=jnp.float32)
    return {"x": x, "table": table}

def reference(x, table):
    # nn.Embedding lookup: gather rows of the embedding table
    return jnp.take(table, x, axis=0)

if __name__ == "__main__":
    import jax
    _d = setup_inputs()
    print(jax.jit(kernel)(*tuple(_d.values())))

</pallas_src>

<mosaic_0001>
#map = affine_map<(d0, d1) -> (0, 0)>
#map1 = affine_map<(d0, d1) -> (0, 0, 0)>
module attributes {stable_mosaic.version = 14 : i64} {
  func.func @_embed_body(%arg0: i32, %arg1: i32, %arg2: memref<100000x128xf32, #tpu.memory_space<hbm>>, %arg3: memref<32x100x64xi32, #tpu.memory_space<hbm>>, %arg4: memref<204800x128xf32, #tpu.memory_space<hbm>>, %arg5: memref<100x64xi32, #tpu.memory_space<vmem>>, %arg6: memref<10x64x128xf32, #tpu.memory_space<vmem>>, %arg7: memref<!tpu.dma_semaphore, #tpu.memory_space<semaphore_mem>>, %arg8: memref<!tpu.dma_semaphore, #tpu.memory_space<semaphore_mem>>, %arg9: memref<!tpu.dma_semaphore, #tpu.memory_space<semaphore_mem>>, %arg10: memref<!tpu.dma_semaphore, #tpu.memory_space<semaphore_mem>>, %arg11: memref<!tpu.dma_semaphore, #tpu.memory_space<semaphore_mem>>, %arg12: memref<!tpu.dma_semaphore, #tpu.memory_space<semaphore_mem>>, %arg13: memref<!tpu.dma_semaphore, #tpu.memory_space<semaphore_mem>>, %arg14: memref<!tpu.dma_semaphore, #tpu.memory_space<semaphore_mem>>, %arg15: memref<!tpu.dma_semaphore, #tpu.memory_space<semaphore_mem>>, %arg16: memref<!tpu.dma_semaphore, #tpu.memory_space<semaphore_mem>>, %arg17: memref<!tpu.dma_semaphore, #tpu.memory_space<semaphore_mem>>, %arg18: memref<!tpu.dma_semaphore, #tpu.memory_space<semaphore_mem>>, %arg19: memref<!tpu.dma_semaphore, #tpu.memory_space<semaphore_mem>>, %arg20: memref<!tpu.dma_semaphore, #tpu.memory_space<semaphore_mem>>, %arg21: memref<!tpu.dma_semaphore, #tpu.memory_space<semaphore_mem>>, %arg22: memref<!tpu.dma_semaphore, #tpu.memory_space<semaphore_mem>>, %arg23: memref<!tpu.dma_semaphore, #tpu.memory_space<semaphore_mem>>, %arg24: memref<!tpu.dma_semaphore, #tpu.memory_space<semaphore_mem>>, %arg25: memref<!tpu.dma_semaphore, #tpu.memory_space<semaphore_mem>>, %arg26: memref<!tpu.dma_semaphore, #tpu.memory_space<semaphore_mem>>) attributes {dimension_semantics = [#tpu.dimension_semantics<core_parallel>, #tpu.dimension_semantics<subcore_parallel>], iteration_bounds = array<i64: 2, 16>, scalar_prefetch = 0 : i64, scratch_operands = 22 : i64, tpu.core_type = #tpu.core_type<sc_vector_subcore>, window_params = [{transform_indices = #map}, {transform_indices = #map1}, {transform_indices = #map}]} {
    %mul3A = arith.constant 2 : i32
    %mul3A_0 = arith.muli %arg1, %mul3A : i32
    %add3A = arith.addi %mul3A_0, %arg0 : i32
    %mul3A_1 = arith.constant 6400 : i32
    %mul3A_2 = arith.muli %add3A, %mul3A_1 : i32
    "tpu.region"() ({
      %run_scoped3A = tpu.sem_alloc : memref<!tpu.dma_semaphore, #tpu.memory_space<semaphore_mem>>
      %dma_start3A_546 = arith.constant 0 : i32
      %dma_start3A_547 = arith.constant 0 : i32
      %dma_start3A_548 = tpu.memref_slice %arg3[%add3A, %dma_start3A_546, %dma_start3A_547] : memref<32x100x64xi32, #tpu.memory_space<hbm>> -> memref<1x100x64xi32, #tpu.memory_space<hbm>>
      %dma_start3A_549 = tpu.memref_squeeze %dma_start3A_548 : memref<1x100x64xi32, #tpu.memory_space<hbm>> -> memref<100x64xi32, #tpu.memory_space<hbm>>
      %dma_start3A_550 = arith.constant 0 : i32
      %dma_start3A_551 = arith.constant 0 : i32
      %dma_start3A_552 = tpu.memref_slice %arg3[%add3A, %dma_start3A_550, %dma_start3A_551] : memref<32x100x64xi32, #tpu.memory_space<hbm>> -> memref<1x100x64xi32, #tpu.memory_space<hbm>>
      %dma_start3A_553 = tpu.memref_squeeze %dma_start3A_552 : memref<1x100x64xi32, #tpu.memory_space<hbm>> -> memref<100x64xi32, #tpu.memory_space<hbm>>
      tpu.enqueue_dma source(%dma_start3A_553 : memref<100x64xi32, #tpu.memory_space<hbm>>) target(%arg5 : memref<100x64xi32, #tpu.memory_space<vmem>>) target_semaphore(%run_scoped3A : memref<!tpu.dma_semaphore, #tpu.memory_space<semaphore_mem>>)
      %dma_wait3A_554 = arith.constant 0 : i32
      %dma_wait3A_555 = arith.constant 0 : i32
      %dma_wait3A_556 = tpu.memref_slice %arg3[%add3A, %dma_wait3A_554, %dma_wait3A_555] : memref<32x100x64xi32, #tpu.memory_space<hbm>> -> memref<1x100x64xi32, #tpu.memory_space<hbm>>
      %dma_wait3A_557 = tpu.memref_squeeze %dma_wait3A_556 : memref<1x100x64xi32, #tpu.memory_space<hbm>> -> memref<100x64xi32, #tpu.memory_space<hbm>>
      %dma_wait3A_558 = arith.constant 0 : i32
      %dma_wait3A_559 = arith.constant 0 : i32
      %dma_wait3A_560 = tpu.memref_slice %arg3[%add3A, %dma_wait3A_558, %dma_wait3A_559] : memref<32x100x64xi32, #tpu.memory_space<hbm>> -> memref<1x100x64xi32, #tpu.memory_space<hbm>>
      %dma_wait3A_561 = tpu.memref_squeeze %dma_wait3A_560 : memref<1x100x64xi32, #tpu.memory_space<hbm>> -> memref<100x64xi32, #tpu.memory_space<hbm>>
      tpu.wait_dma2 semaphore(%run_scoped3A : memref<!tpu.dma_semaphore, #tpu.memory_space<semaphore_mem>>) src(%dma_wait3A_561 : memref<100x64xi32, #tpu.memory_space<hbm>>) dst(%arg5 : memref<100x64xi32, #tpu.memory_space<vmem>>)
      tpu.yield
    }) : () -> ()
    %dma_start3A = arith.constant 0 : i32
    %dma_start3A_3 = arith.constant 0 : i32
    %dma_start3A_4 = arith.constant 0 : i32
    %dma_start3A_5 = arith.constant 0 : i32
    %dma_start3A_6 = tpu.memref_slice %arg6[%dma_start3A_3, %dma_start3A_4, %dma_start3A_5] : memref<10x64x128xf32, #tpu.memory_space<vmem>> -> memref<1x64x128xf32, #tpu.memory_space<vmem>>
    %dma_start3A_7 = tpu.memref_squeeze %dma_start3A_6 : memref<1x64x128xf32, #tpu.memory_space<vmem>> -> memref<64x128xf32, #tpu.memory_space<vmem>>
    %dma_start3A_8 = arith.constant 0 : i32
    %dma_start3A_9 = tpu.memref_slice %arg5[%dma_start3A, %dma_start3A_8] : memref<100x64xi32, #tpu.memory_space<vmem>> -> memref<1x64xi32, #tpu.memory_space<vmem>>
    %dma_start3A_10 = tpu.memref_squeeze %dma_start3A_9 : memref<1x64xi32, #tpu.memory_space<vmem>> -> memref<64xi32, #tpu.memory_space<vmem>>
    %dma_start3A_11 = arith.constant 0 : i32
    %dma_start3A_12 = arith.constant 0 : i32
    %dma_start3A_13 = tpu.memref_slice %arg2[%dma_start3A_11, %dma_start3A_12] : memref<100000x128xf32, #tpu.memory_space<hbm>> -> memref<100000x128xf32, #tpu.memory_space<hbm>>
    tpu.enqueue_indirect_dma source(%dma_start3A_13 : memref<100000x128xf32, #tpu.memory_space<hbm>>) target(%dma_start3A_7 : memref<64x128xf32, #tpu.memory_space<vmem>>) offsets(%dma_start3A_10 : memref<64xi32, #tpu.memory_space<vmem>>) semaphore(%arg7 : memref<!tpu.dma_semaphore, #tpu.memory_space<semaphore_mem>>)
    %dma_start3A_14 = arith.constant 1 : i32
    %dma_start3A_15 = arith.constant 1 : i32
    %dma_start3A_16 = arith.constant 0 : i32
    %dma_start3A_17 = arith.constant 0 : i32
    %dma_start3A_18 = tpu.memref_slice %arg6[%dma_start3A_15, %dma_start3A_16, %dma_start3A_17] : memref<10x64x128xf32, #tpu.memory_space<vmem>> -> memref<1x64x128xf32, #tpu.memory_space<vmem>>
    %dma_start3A_19 = tpu.memref_squeeze %dma_start3A_18 : memref<1x64x128xf32, #tpu.memory_space<vmem>> -> memref<64x128xf32, #tpu.memory_space<vmem>>
    %dma_start3A_20 = arith.constant 0 : i32
    %dma_start3A_21 = tpu.memref_slice %arg5[%dma_start3A_14, %dma_start3A_20] : memref<100x64xi32, #tpu.memory_space<vmem>> -> memref<1x64xi32, #tpu.memory_space<vmem>>
    %dma_start3A_22 = tpu.memref_squeeze %dma_start3A_21 : memref<1x64xi32, #tpu.memory_space<vmem>> -> memref<64xi32, #tpu.memory_space<vmem>>
    %dma_start3A_23 = arith.constant 0 : i32
    %dma_start3A_24 = arith.constant 0 : i32
    %dma_start3A_25 = tpu.memref_slice %arg2[%dma_start3A_23, %dma_start3A_24] : memref<100000x128xf32, #tpu.memory_space<hbm>> -> memref<100000x128xf32, #tpu.memory_space<hbm>>
    tpu.enqueue_indirect_dma source(%dma_start3A_25 : memref<100000x128xf32, #tpu.memory_space<hbm>>) target(%dma_start3A_19 : memref<64x128xf32, #tpu.memory_space<vmem>>) offsets(%dma_start3A_22 : memref<64xi32, #tpu.memory_space<vmem>>) semaphore(%arg8 : memref<!tpu.dma_semaphore, #tpu.memory_space<semaphore_mem>>)
    %dma_start3A_26 = arith.constant 2 : i32
    %dma_start3A_27 = arith.constant 2 : i32
    %dma_start3A_28 = arith.constant 0 : i32
    %dma_start3A_29 = arith.constant 0 : i32
    %dma_start3A_30 = tpu.memref_slice %arg6[%dma_start3A_27, %dma_start3A_28, %dma_start3A_29] : memref<10x64x128xf32, #tpu.memory_space<vmem>> -> memref<1x64x128xf32, #tpu.memory_space<vmem>>
    %dma_start3A_31 = tpu.memref_squeeze %dma_start3A_30 : memref<1x64x128xf32, #tpu.memory_space<vmem>> -> memref<64x128xf32, #tpu.memory_space<vmem>>
    %dma_start3A_32 = arith.constant 0 : i32
    %dma_start3A_33 = tpu.memref_slice %arg5[%dma_start3A_26, %dma_start3A_32] : memref<100x64xi32, #tpu.memory_space<vmem>> -> memref<1x64xi32, #tpu.memory_space<vmem>>
    %dma_start3A_34 = tpu.memref_squeeze %dma_start3A_33 : memref<1x64xi32, #tpu.memory_space<vmem>> -> memref<64xi32, #tpu.memory_space<vmem>>
    %dma_start3A_35 = arith.constant 0 : i32
    %dma_start3A_36 = arith.constant 0 : i32
    %dma_start3A_37 = tpu.memref_slice %arg2[%dma_start3A_35, %dma_start3A_36] : memref<100000x128xf32, #tpu.memory_space<hbm>> -> memref<100000x128xf32, #tpu.memory_space<hbm>>
    tpu.enqueue_indirect_dma source(%dma_start3A_37 : memref<100000x128xf32, #tpu.memory_space<hbm>>) target(%dma_start3A_31 : memref<64x128xf32, #tpu.memory_space<vmem>>) offsets(%dma_start3A_34 : memref<64xi32, #tpu.memory_space<vmem>>) semaphore(%arg9 : memref<!tpu.dma_semaphore, #tpu.memory_space<semaphore_mem>>)
    %dma_start3A_38 = arith.constant 3 : i32
    %dma_start3A_39 = arith.constant 3 : i32
    %dma_start3A_40 = arith.constant 0 : i32
    %dma_start3A_41 = arith.constant 0 : i32
    %dma_start3A_42 = tpu.memref_slice %arg6[%dma_start3A_39, %dma_start3A_40, %dma_start3A_41] : memref<10x64x128xf32, #tpu.memory_space<vmem>> -> memref<1x64x128xf32, #tpu.memory_space<vmem>>
    %dma_start3A_43 = tpu.memref_squeeze %dma_start3A_42 : memref<1x64x128xf32, #tpu.memory_space<vmem>> -> memref<64x128xf32, #tpu.memory_space<vmem>>
    %dma_start3A_44 = arith.constant 0 : i32
    %dma_start3A_45 = tpu.memref_slice %arg5[%dma_start3A_38, %dma_start3A_44] : memref<100x64xi32, #tpu.memory_space<vmem>> -> memref<1x64xi32, #tpu.memory_space<vmem>>
    %dma_start3A_46 = tpu.memref_squeeze %dma_start3A_45 : memref<1x64xi32, #tpu.memory_space<vmem>> -> memref<64xi32, #tpu.memory_space<vmem>>
    %dma_start3A_47 = arith.constant 0 : i32
    %dma_start3A_48 = arith.constant 0 : i32
    %dma_start3A_49 = tpu.memref_slice %arg2[%dma_start3A_47, %dma_start3A_48] : memref<100000x128xf32, #tpu.memory_space<hbm>> -> memref<100000x128xf32, #tpu.memory_space<hbm>>
    tpu.enqueue_indirect_dma source(%dma_start3A_49 : memref<100000x128xf32, #tpu.memory_space<hbm>>) target(%dma_start3A_43 : memref<64x128xf32, #tpu.memory_space<vmem>>) offsets(%dma_start3A_46 : memref<64xi32, #tpu.memory_space<vmem>>) semaphore(%arg10 : memref<!tpu.dma_semaphore, #tpu.memory_space<semaphore_mem>>)
    %dma_start3A_50 = arith.constant 4 : i32
    %dma_start3A_51 = arith.constant 4 : i32
    %dma_start3A_52 = arith.constant 0 : i32
    %dma_start3A_53 = arith.constant 0 : i32
    %dma_start3A_54 = tpu.memref_slice %arg6[%dma_start3A_51, %dma_start3A_52, %dma_start3A_53] : memref<10x64x128xf32, #tpu.memory_space<vmem>> -> memref<1x64x128xf32, #tpu.memory_space<vmem>>
    %dma_start3A_55 = tpu.memref_squeeze %dma_start3A_54 : memref<1x64x128xf32, #tpu.memory_space<vmem>> -> memref<64x128xf32, #tpu.memory_space<vmem>>
    %dma_start3A_56 = arith.constant 0 : i32
    %dma_start3A_57 = tpu.memref_slice %arg5[%dma_start3A_50, %dma_start3A_56] : memref<100x64xi32, #tpu.memory_space<vmem>> -> memref<1x64xi32, #tpu.memory_space<vmem>>
    %dma_start3A_58 = tpu.memref_squeeze %dma_start3A_57 : memref<1x64xi32, #tpu.memory_space<vmem>> -> memref<64xi32, #tpu.memory_space<vmem>>
    %dma_start3A_59 = arith.constant 0 : i32
    %dma_start3A_60 = arith.constant 0 : i32
    %dma_start3A_61 = tpu.memref_slice %arg2[%dma_start3A_59, %dma_start3A_60] : memref<100000x128xf32, #tpu.memory_space<hbm>> -> memref<100000x128xf32, #tpu.memory_space<hbm>>
    tpu.enqueue_indirect_dma source(%dma_start3A_61 : memref<100000x128xf32, #tpu.memory_space<hbm>>) target(%dma_start3A_55 : memref<64x128xf32, #tpu.memory_space<vmem>>) offsets(%dma_start3A_58 : memref<64xi32, #tpu.memory_space<vmem>>) semaphore(%arg11 : memref<!tpu.dma_semaphore, #tpu.memory_space<semaphore_mem>>)
    %dma_start3A_62 = arith.constant 5 : i32
    %dma_start3A_63 = arith.constant 5 : i32
    %dma_start3A_64 = arith.constant 0 : i32
    %dma_start3A_65 = arith.constant 0 : i32
    %dma_start3A_66 = tpu.memref_slice %arg6[%dma_start3A_63, %dma_start3A_64, %dma_start3A_65] : memref<10x64x128xf32, #tpu.memory_space<vmem>> -> memref<1x64x128xf32, #tpu.memory_space<vmem>>
    %dma_start3A_67 = tpu.memref_squeeze %dma_start3A_66 : memref<1x64x128xf32, #tpu.memory_space<vmem>> -> memref<64x128xf32, #tpu.memory_space<vmem>>
    %dma_start3A_68 = arith.constant 0 : i32
    %dma_start3A_69 = tpu.memref_slice %arg5[%dma_start3A_62, %dma_start3A_68] : memref<100x64xi32, #tpu.memory_space<vmem>> -> memref<1x64xi32, #tpu.memory_space<vmem>>
    %dma_start3A_70 = tpu.memref_squeeze %dma_start3A_69 : memref<1x64xi32, #tpu.memory_space<vmem>> -> memref<64xi32, #tpu.memory_space<vmem>>
    %dma_start3A_71 = arith.constant 0 : i32
    %dma_start3A_72 = arith.constant 0 : i32
    %dma_start3A_73 = tpu.memref_slice %arg2[%dma_start3A_71, %dma_start3A_72] : memref<100000x128xf32, #tpu.memory_space<hbm>> -> memref<100000x128xf32, #tpu.memory_space<hbm>>
    tpu.enqueue_indirect_dma source(%dma_start3A_73 : memref<100000x128xf32, #tpu.memory_space<hbm>>) target(%dma_start3A_67 : memref<64x128xf32, #tpu.memory_space<vmem>>) offsets(%dma_start3A_70 : memref<64xi32, #tpu.memory_space<vmem>>) semaphore(%arg12 : memref<!tpu.dma_semaphore, #tpu.memory_space<semaphore_mem>>)
    %dma_start3A_74 = arith.constant 6 : i32
    %dma_start3A_75 = arith.constant 6 : i32
    %dma_start3A_76 = arith.constant 0 : i32
    %dma_start3A_77 = arith.constant 0 : i32
    %dma_start3A_78 = tpu.memref_slice %arg6[%dma_start3A_75, %dma_start3A_76, %dma_start3A_77] : memref<10x64x128xf32, #tpu.memory_space<vmem>> -> memref<1x64x128xf32, #tpu.memory_space<vmem>>
    %dma_start3A_79 = tpu.memref_squeeze %dma_start3A_78 : memref<1x64x128xf32, #tpu.memory_space<vmem>> -> memref<64x128xf32, #tpu.memory_space<vmem>>
    %dma_start3A_80 = arith.constant 0 : i32
    %dma_start3A_81 = tpu.memref_slice %arg5[%dma_start3A_74, %dma_start3A_80] : memref<100x64xi32, #tpu.memory_space<vmem>> -> memref<1x64xi32, #tpu.memory_space<vmem>>
    %dma_start3A_82 = tpu.memref_squeeze %dma_start3A_81 : memref<1x64xi32, #tpu.memory_space<vmem>> -> memref<64xi32, #tpu.memory_space<vmem>>
    %dma_start3A_83 = arith.constant 0 : i32
    %dma_start3A_84 = arith.constant 0 : i32
    %dma_start3A_85 = tpu.memref_slice %arg2[%dma_start3A_83, %dma_start3A_84] : memref<100000x128xf32, #tpu.memory_space<hbm>> -> memref<100000x128xf32, #tpu.memory_space<hbm>>
    tpu.enqueue_indirect_dma source(%dma_start3A_85 : memref<100000x128xf32, #tpu.memory_space<hbm>>) target(%dma_start3A_79 : memref<64x128xf32, #tpu.memory_space<vmem>>) offsets(%dma_start3A_82 : memref<64xi32, #tpu.memory_space<vmem>>) semaphore(%arg13 : memref<!tpu.dma_semaphore, #tpu.memory_space<semaphore_mem>>)
    %dma_start3A_86 = arith.constant 7 : i32
    %dma_start3A_87 = arith.constant 7 : i32
    %dma_start3A_88 = arith.constant 0 : i32
    %dma_start3A_89 = arith.constant 0 : i32
    %dma_start3A_90 = tpu.memref_slice %arg6[%dma_start3A_87, %dma_start3A_88, %dma_start3A_89] : memref<10x64x128xf32, #tpu.memory_space<vmem>> -> memref<1x64x128xf32, #tpu.memory_space<vmem>>
    %dma_start3A_91 = tpu.memref_squeeze %dma_start3A_90 : memref<1x64x128xf32, #tpu.memory_space<vmem>> -> memref<64x128xf32, #tpu.memory_space<vmem>>
    %dma_start3A_92 = arith.constant 0 : i32
    %dma_start3A_93 = tpu.memref_slice %arg5[%dma_start3A_86, %dma_start3A_92] : memref<100x64xi32, #tpu.memory_space<vmem>> -> memref<1x64xi32, #tpu.memory_space<vmem>>
    %dma_start3A_94 = tpu.memref_squeeze %dma_start3A_93 : memref<1x64xi32, #tpu.memory_space<vmem>> -> memref<64xi32, #tpu.memory_space<vmem>>
    %dma_start3A_95 = arith.constant 0 : i32
    %dma_start3A_96 = arith.constant 0 : i32
    %dma_start3A_97 = tpu.memref_slice %arg2[%dma_start3A_95, %dma_start3A_96] : memref<100000x128xf32, #tpu.memory_space<hbm>> -> memref<100000x128xf32, #tpu.memory_space<hbm>>
    tpu.enqueue_indirect_dma source(%dma_start3A_97 : memref<100000x128xf32, #tpu.memory_space<hbm>>) target(%dma_start3A_91 : memref<64x128xf32, #tpu.memory_space<vmem>>) offsets(%dma_start3A_94 : memref<64xi32, #tpu.memory_space<vmem>>) semaphore(%arg14 : memref<!tpu.dma_semaphore, #tpu.memory_space<semaphore_mem>>)
    %dma_start3A_98 = arith.constant 8 : i32
    %dma_start3A_99 = arith.constant 8 : i32
    %dma_start3A_100 = arith.constant 0 : i32
    %dma_start3A_101 = arith.constant 0 : i32
    %dma_start3A_102 = tpu.memref_slice %arg6[%dma_start3A_99, %dma_start3A_100, %dma_start3A_101] : memref<10x64x128xf32, #tpu.memory_space<vmem>> -> memref<1x64x128xf32, #tpu.memory_space<vmem>>
    %dma_start3A_103 = tpu.memref_squeeze %dma_start3A_102 : memref<1x64x128xf32, #tpu.memory_space<vmem>> -> memref<64x128xf32, #tpu.memory_space<vmem>>
    %dma_start3A_104 = arith.constant 0 : i32
    %dma_start3A_105 = tpu.memref_slice %arg5[%dma_start3A_98, %dma_start3A_104] : memref<100x64xi32, #tpu.memory_space<vmem>> -> memref<1x64xi32, #tpu.memory_space<vmem>>
    %dma_start3A_106 = tpu.memref_squeeze %dma_start3A_105 : memref<1x64xi32, #tpu.memory_space<vmem>> -> memref<64xi32, #tpu.memory_space<vmem>>
    %dma_start3A_107 = arith.constant 0 : i32
    %dma_start3A_108 = arith.constant 0 : i32
    %dma_start3A_109 = tpu.memref_slice %arg2[%dma_start3A_107, %dma_start3A_108] : memref<100000x128xf32, #tpu.memory_space<hbm>> -> memref<100000x128xf32, #tpu.memory_space<hbm>>
    tpu.enqueue_indirect_dma source(%dma_start3A_109 : memref<100000x128xf32, #tpu.memory_space<hbm>>) target(%dma_start3A_103 : memref<64x128xf32, #tpu.memory_space<vmem>>) offsets(%dma_start3A_106 : memref<64xi32, #tpu.memory_space<vmem>>) semaphore(%arg15 : memref<!tpu.dma_semaphore, #tpu.memory_space<semaphore_mem>>)
    %dma_start3A_110 = arith.constant 9 : i32
    %dma_start3A_111 = arith.constant 9 : i32
    %dma_start3A_112 = arith.constant 0 : i32
    %dma_start3A_113 = arith.constant 0 : i32
    %dma_start3A_114 = tpu.memref_slice %arg6[%dma_start3A_111, %dma_start3A_112, %dma_start3A_113] : memref<10x64x128xf32, #tpu.memory_space<vmem>> -> memref<1x64x128xf32, #tpu.memory_space<vmem>>
    %dma_start3A_115 = tpu.memref_squeeze %dma_start3A_114 : memref<1x64x128xf32, #tpu.memory_space<vmem>> -> memref<64x128xf32, #tpu.memory_space<vmem>>
    %dma_start3A_116 = arith.constant 0 : i32
    %dma_start3A_117 = tpu.memref_slice %arg5[%dma_start3A_110, %dma_start3A_116] : memref<100x64xi32, #tpu.memory_space<vmem>> -> memref<1x64xi32, #tpu.memory_space<vmem>>
    %dma_start3A_118 = tpu.memref_squeeze %dma_start3A_117 : memref<1x64xi32, #tpu.memory_space<vmem>> -> memref<64xi32, #tpu.memory_space<vmem>>
    %dma_start3A_119 = arith.constant 0 : i32
    %dma_start3A_120 = arith.constant 0 : i32
    %dma_start3A_121 = tpu.memref_slice %arg2[%dma_start3A_119, %dma_start3A_120] : memref<100000x128xf32, #tpu.memory_space<hbm>> -> memref<100000x128xf32, #tpu.memory_space<hbm>>
    tpu.enqueue_indirect_dma source(%dma_start3A_121 : memref<100000x128xf32, #tpu.memory_space<hbm>>) target(%dma_start3A_115 : memref<64x128xf32, #tpu.memory_space<vmem>>) offsets(%dma_start3A_118 : memref<64xi32, #tpu.memory_space<vmem>>) semaphore(%arg16 : memref<!tpu.dma_semaphore, #tpu.memory_space<semaphore_mem>>)
    %scan3A = arith.constant 0 : i32
    %scan3A_122 = arith.constant 0 : i32
    %scan3A_123 = arith.constant 9 : i32
    %scan3A_124 = arith.addi %scan3A_122, %scan3A_123 : i32
    %scan3A_125 = arith.constant 1 : i32
    scf.for %scan3A_546 = %scan3A_122 to %scan3A_124 step %scan3A_125  : i32 {
      %mul3A_547 = arith.constant 10 : i32
      %mul3A_548 = arith.muli %scan3A_546, %mul3A_547 : i32
      %add3A_549 = arith.constant 0 : i32
      %add3A_550 = arith.addi %mul3A_548, %add3A_549 : i32
      %dma_wait3A_551 = arith.constant 0 : i32
      %dma_wait3A_552 = arith.constant 0 : i32
      %dma_wait3A_553 = arith.constant 0 : i32
      %dma_wait3A_554 = tpu.memref_slice %arg6[%dma_wait3A_551, %dma_wait3A_552, %dma_wait3A_553] : memref<10x64x128xf32, #tpu.memory_space<vmem>> -> memref<1x64x128xf32, #tpu.memory_space<vmem>>
      %dma_wait3A_555 = tpu.memref_squeeze %dma_wait3A_554 : memref<1x64x128xf32, #tpu.memory_space<vmem>> -> memref<64x128xf32, #tpu.memory_space<vmem>>
      %dma_wait3A_556 = arith.constant 0 : i32
      %dma_wait3A_557 = tpu.memref_slice %arg5[%add3A_550, %dma_wait3A_556] : memref<100x64xi32, #tpu.memory_space<vmem>> -> memref<1x64xi32, #tpu.memory_space<vmem>>
      %dma_wait3A_558 = tpu.memref_squeeze %dma_wait3A_557 : memref<1x64xi32, #tpu.memory_space<vmem>> -> memref<64xi32, #tpu.memory_space<vmem>>
      %dma_wait3A_559 = arith.constant 0 : i32
      %dma_wait3A_560 = arith.constant 0 : i32
      %dma_wait3A_561 = tpu.memref_slice %arg2[%dma_wait3A_559, %dma_wait3A_560] : memref<100000x128xf32, #tpu.memory_space<hbm>> -> memref<100000x128xf32, #tpu.memory_space<hbm>>
      tpu.wait_indirect_dma semaphore(%arg7 : memref<!tpu.dma_semaphore, #tpu.memory_space<semaphore_mem>>) src(%dma_wait3A_561 : memref<100000x128xf32, #tpu.memory_space<hbm>>) dst(%dma_wait3A_555 : memref<64x128xf32, #tpu.memory_space<vmem>>)
      %mul3A_562 = arith.constant 64 : i32
      %mul3A_563 = arith.muli %add3A_550, %mul3A_562 : i32
      %add3A_564 = arith.addi %mul3A_2, %mul3A_563 : i32
      %dma_start3A_565 = arith.constant 0 : i32
      %dma_start3A_566 = arith.constant 0 : i32
      %dma_start3A_567 = arith.constant 0 : i32
      %dma_start3A_568 = tpu.memref_slice %arg6[%dma_start3A_565, %dma_start3A_566, %dma_start3A_567] : memref<10x64x128xf32, #tpu.memory_space<vmem>> -> memref<1x64x128xf32, #tpu.memory_space<vmem>>
      %dma_start3A_569 = tpu.memref_squeeze %dma_start3A_568 : memref<1x64x128xf32, #tpu.memory_space<vmem>> -> memref<64x128xf32, #tpu.memory_space<vmem>>
      %dma_start3A_570 = arith.constant 0 : i32
      %dma_start3A_571 = tpu.memref_slice %arg4[%add3A_564, %dma_start3A_570] : memref<204800x128xf32, #tpu.memory_space<hbm>> -> memref<64x128xf32, #tpu.memory_space<hbm>>
      %dma_start3A_572 = arith.constant 0 : i32
      %dma_start3A_573 = tpu.memref_slice %arg4[%add3A_564, %dma_start3A_572] : memref<204800x128xf32, #tpu.memory_space<hbm>> -> memref<64x128xf32, #tpu.memory_space<hbm>>
      %dma_start3A_574 = arith.constant 0 : i32
      %dma_start3A_575 = arith.constant 0 : i32
      %dma_start3A_576 = tpu.memref_slice %arg6[%dma_start3A_565, %dma_start3A_574, %dma_start3A_575] : memref<10x64x128xf32, #tpu.memory_space<vmem>> -> memref<1x64x128xf32, #tpu.memory_space<vmem>>
      %dma_start3A_577 = tpu.memref_squeeze %dma_start3A_576 : memref<1x64x128xf32, #tpu.memory_space<vmem>> -> memref<64x128xf32, #tpu.memory_space<vmem>>
      tpu.enqueue_dma source(%dma_start3A_577 : memref<64x128xf32, #tpu.memory_space<vmem>>) target(%dma_start3A_573 : memref<64x128xf32, #tpu.memory_space<hbm>>) target_semaphore(%arg17 : memref<!tpu.dma_semaphore, #tpu.memory_space<semaphore_mem>>)
      %mul3A_578 = arith.constant 10 : i32
      %mul3A_579 = arith.muli %scan3A_546, %mul3A_578 : i32
      %add3A_580 = arith.constant 1 : i32
      %add3A_581 = arith.addi %mul3A_579, %add3A_580 : i32
      %dma_wait3A_582 = arith.constant 1 : i32
      %dma_wait3A_583 = arith.constant 0 : i32
      %dma_wait3A_584 = arith.constant 0 : i32
      %dma_wait3A_585 = tpu.memref_slice %arg6[%dma_wait3A_582, %dma_wait3A_583, %dma_wait3A_584] : memref<10x64x128xf32, #tpu.memory_space<vmem>> -> memref<1x64x128xf32, #tpu.memory_space<vmem>>
      %dma_wait3A_586 = tpu.memref_squeeze %dma_wait3A_585 : memref<1x64x128xf32, #tpu.memory_space<vmem>> -> memref<64x128xf32, #tpu.memory_space<vmem>>
      %dma_wait3A_587 = arith.constant 0 : i32
      %dma_wait3A_588 = tpu.memref_slice %arg5[%add3A_581, %dma_wait3A_587] : memref<100x64xi32, #tpu.memory_space<vmem>> -> memref<1x64xi32, #tpu.memory_space<vmem>>
      %dma_wait3A_589 = tpu.memref_squeeze %dma_wait3A_588 : memref<1x64xi32, #tpu.memory_space<vmem>> -> memref<64xi32, #tpu.memory_space<vmem>>
      %dma_wait3A_590 = arith.constant 0 : i32
      %dma_wait3A_591 = arith.constant 0 : i32
      %dma_wait3A_592 = tpu.memref_slice %arg2[%dma_wait3A_590, %dma_wait3A_591] : memref<100000x128xf32, #tpu.memory_space<hbm>> -> memref<100000x128xf32, #tpu.memory_space<hbm>>
      tpu.wait_indirect_dma semaphore(%arg8 : memref<!tpu.dma_semaphore, #tpu.memory_space<semaphore_mem>>) src(%dma_wait3A_592 : memref<100000x128xf32, #tpu.memory_space<hbm>>) dst(%dma_wait3A_586 : memref<64x128xf32, #tpu.memory_space<vmem>>)
      %mul3A_593 = arith.constant 64 : i32
      %mul3A_594 = arith.muli %add3A_581, %mul3A_593 : i32
      %add3A_595 = arith.addi %mul3A_2, %mul3A_594 : i32
      %dma_start3A_596 = arith.constant 1 : i32
      %dma_start3A_597 = arith.constant 0 : i32
      %dma_start3A_598 = arith.constant 0 : i32
      %dma_start3A_599 = tpu.memref_slice %arg6[%dma_start3A_596, %dma_start3A_597, %dma_start3A_598] : memref<10x64x128xf32, #tpu.memory_space<vmem>> -> memref<1x64x128xf32, #tpu.memory_space<vmem>>
      %dma_start3A_600 = tpu.memref_squeeze %dma_start3A_599 : memref<1x64x128xf32, #tpu.memory_space<vmem>> -> memref<64x128xf32, #tpu.memory_space<vmem>>
      %dma_start3A_601 = arith.constant 0 : i32
      %dma_start3A_602 = tpu.memref_slice %arg4[%add3A_595, %dma_start3A_601] : memref<204800x128xf32, #tpu.memory_space<hbm>> -> memref<64x128xf32, #tpu.memory_space<hbm>>
      %dma_start3A_603 = arith.constant 0 : i32
      %dma_start3A_604 = tpu.memref_slice %arg4[%add3A_595, %dma_start3A_603] : memref<204800x128xf32, #tpu.memory_space<hbm>> -> memref<64x128xf32, #tpu.memory_space<hbm>>
      %dma_start3A_605 = arith.constant 0 : i32
      %dma_start3A_606 = arith.constant 0 : i32
      %dma_start3A_607 = tpu.memref_slice %arg6[%dma_start3A_596, %dma_start3A_605, %dma_start3A_606] : memref<10x64x128xf32, #tpu.memory_space<vmem>> -> memref<1x64x128xf32, #tpu.memory_space<vmem>>
      %dma_start3A_608 = tpu.memref_squeeze %dma_start3A_607 : memref<1x64x128xf32, #tpu.memory_space<vmem>> -> memref<64x128xf32, #tpu.memory_space<vmem>>
      tpu.enqueue_dma source(%dma_start3A_608 : memref<64x128xf32, #tpu.memory_space<vmem>>) target(%dma_start3A_604 : memref<64x128xf32, #tpu.memory_space<hbm>>) target_semaphore(%arg18 : memref<!tpu.dma_semaphore, #tpu.memory_space<semaphore_mem>>)
      %mul3A_609 = arith.constant 10 : i32
      %mul3A_610 = arith.muli %scan3A_546, %mul3A_609 : i32
      %add3A_611 = arith.constant 2 : i32
      %add3A_612 = arith.addi %mul3A_610, %add3A_611 : i32
      %dma_wait3A_613 = arith.constant 2 : i32
      %dma_wait3A_614 = arith.constant 0 : i32
      %dma_wait3A_615 = arith.constant 0 : i32
      %dma_wait3A_616 = tpu.memref_slice %arg6[%dma_wait3A_613, %dma_wait3A_614, %dma_wait3A_615] : memref<10x64x128xf32, #tpu.memory_space<vmem>> -> memref<1x64x128xf32, #tpu.memory_space<vmem>>
      %dma_wait3A_617 = tpu.memref_squeeze %dma_wait3A_616 : memref<1x64x128xf32, #tpu.memory_space<vmem>> -> memref<64x128xf32, #tpu.memory_space<vmem>>
      %dma_wait3A_618 = arith.constant 0 : i32
      %dma_wait3A_619 = tpu.memref_slice %arg5[%add3A_612, %dma_wait3A_618] : memref<100x64xi32, #tpu.memory_space<vmem>> -> memref<1x64xi32, #tpu.memory_space<vmem>>
      %dma_wait3A_620 = tpu.memref_squeeze %dma_wait3A_619 : memref<1x64xi32, #tpu.memory_space<vmem>> -> memref<64xi32, #tpu.memory_space<vmem>>
      %dma_wait3A_621 = arith.constant 0 : i32
      %dma_wait3A_622 = arith.constant 0 : i32
      %dma_wait3A_623 = tpu.memref_slice %arg2[%dma_wait3A_621, %dma_wait3A_622] : memref<100000x128xf32, #tpu.memory_space<hbm>> -> memref<100000x128xf32, #tpu.memory_space<hbm>>
      tpu.wait_indirect_dma semaphore(%arg9 : memref<!tpu.dma_semaphore, #tpu.memory_space<semaphore_mem>>) src(%dma_wait3A_623 : memref<100000x128xf32, #tpu.memory_space<hbm>>) dst(%dma_wait3A_617 : memref<64x128xf32, #tpu.memory_space<vmem>>)
      %mul3A_624 = arith.constant 64 : i32
      %mul3A_625 = arith.muli %add3A_612, %mul3A_624 : i32
      %add3A_626 = arith.addi %mul3A_2, %mul3A_625 : i32
      %dma_start3A_627 = arith.constant 2 : i32
      %dma_start3A_628 = arith.constant 0 : i32
      %dma_start3A_629 = arith.constant 0 : i32
      %dma_start3A_630 = tpu.memref_slice %arg6[%dma_start3A_627, %dma_start3A_628, %dma_start3A_629] : memref<10x64x128xf32, #tpu.memory_space<vmem>> -> memref<1x64x128xf32, #tpu.memory_space<vmem>>
      %dma_start3A_631 = tpu.memref_squeeze %dma_start3A_630 : memref<1x64x128xf32, #tpu.memory_space<vmem>> -> memref<64x128xf32, #tpu.memory_space<vmem>>
      %dma_start3A_632 = arith.constant 0 : i32
      %dma_start3A_633 = tpu.memref_slice %arg4[%add3A_626, %dma_start3A_632] : memref<204800x128xf32, #tpu.memory_space<hbm>> -> memref<64x128xf32, #tpu.memory_space<hbm>>
      %dma_start3A_634 = arith.constant 0 : i32
      %dma_start3A_635 = tpu.memref_slice %arg4[%add3A_626, %dma_start3A_634] : memref<204800x128xf32, #tpu.memory_space<hbm>> -> memref<64x128xf32, #tpu.memory_space<hbm>>
      %dma_start3A_636 = arith.constant 0 : i32
      %dma_start3A_637 = arith.constant 0 : i32
      %dma_start3A_638 = tpu.memref_slice %arg6[%dma_start3A_627, %dma_start3A_636, %dma_start3A_637] : memref<10x64x128xf32, #tpu.memory_space<vmem>> -> memref<1x64x128xf32, #tpu.memory_space<vmem>>
      %dma_start3A_639 = tpu.memref_squeeze %dma_start3A_638 : memref<1x64x128xf32, #tpu.memory_space<vmem>> -> memref<64x128xf32, #tpu.memory_space<vmem>>
      tpu.enqueue_dma source(%dma_start3A_639 : memref<64x128xf32, #tpu.memory_space<vmem>>) target(%dma_start3A_635 : memref<64x128xf32, #tpu.memory_space<hbm>>) target_semaphore(%arg19 : memref<!tpu.dma_semaphore, #tpu.memory_space<semaphore_mem>>)
      %mul3A_640 = arith.constant 10 : i32
      %mul3A_641 = arith.muli %scan3A_546, %mul3A_640 : i32
      %add3A_642 = arith.constant 3 : i32
      %add3A_643 = arith.addi %mul3A_641, %add3A_642 : i32
      %dma_wait3A_644 = arith.constant 3 : i32
      %dma_wait3A_645 = arith.constant 0 : i32
      %dma_wait3A_646 = arith.constant 0 : i32
      %dma_wait3A_647 = tpu.memref_slice %arg6[%dma_wait3A_644, %dma_wait3A_645, %dma_wait3A_646] : memref<10x64x128xf32, #tpu.memory_space<vmem>> -> memref<1x64x128xf32, #tpu.memory_space<vmem>>
      %dma_wait3A_648 = tpu.memref_squeeze %dma_wait3A_647 : memref<1x64x128xf32, #tpu.memory_space<vmem>> -> memref<64x128xf32, #tpu.memory_space<vmem>>
      %dma_wait3A_649 = arith.constant 0 : i32
      %dma_wait3A_650 = tpu.memref_slice %arg5[%add3A_643, %dma_wait3A_649] : memref<100x64xi32, #tpu.memory_space<vmem>> -> memref<1x64xi32, #tpu.memory_space<vmem>>
      %dma_wait3A_651 = tpu.memref_squeeze %dma_wait3A_650 : memref<1x64xi32, #tpu.memory_space<vmem>> -> memref<64xi32, #tpu.memory_space<vmem>>
      %dma_wait3A_652 = arith.constant 0 : i32
      %dma_wait3A_653 = arith.constant 0 : i32
      %dma_wait3A_654 = tpu.memref_slice %arg2[%dma_wait3A_652, %dma_wait3A_653] : memref<100000x128xf32, #tpu.memory_space<hbm>> -> memref<100000x128xf32, #tpu.memory_space<hbm>>
      tpu.wait_indirect_dma semaphore(%arg10 : memref<!tpu.dma_semaphore, #tpu.memory_space<semaphore_mem>>) src(%dma_wait3A_654 : memref<100000x128xf32, #tpu.memory_space<hbm>>) dst(%dma_wait3A_648 : memref<64x128xf32, #tpu.memory_space<vmem>>)
      %mul3A_655 = arith.constant 64 : i32
      %mul3A_656 = arith.muli %add3A_643, %mul3A_655 : i32
      %add3A_657 = arith.addi %mul3A_2, %mul3A_656 : i32
      %dma_start3A_658 = arith.constant 3 : i32
      %dma_start3A_659 = arith.constant 0 : i32
      %dma_start3A_660 = arith.constant 0 : i32
      %dma_start3A_661 = tpu.memref_slice %arg6[%dma_start3A_658, %dma_start3A_659, %dma_start3A_660] : memref<10x64x128xf32, #tpu.memory_space<vmem>> -> memref<1x64x128xf32, #tpu.memory_space<vmem>>
      %dma_start3A_662 = tpu.memref_squeeze %dma_start3A_661 : memref<1x64x128xf32, #tpu.memory_space<vmem>> -> memref<64x128xf32, #tpu.memory_space<vmem>>
      %dma_start3A_663 = arith.constant 0 : i32
      %dma_start3A_664 = tpu.memref_slice %arg4[%add3A_657, %dma_start3A_663] : memref<204800x128xf32, #tpu.memory_space<hbm>> -> memref<64x128xf32, #tpu.memory_space<hbm>>
      %dma_start3A_665 = arith.constant 0 : i32
      %dma_start3A_666 = tpu.memref_slice %arg4[%add3A_657, %dma_start3A_665] : memref<204800x128xf32, #tpu.memory_space<hbm>> -> memref<64x128xf32, #tpu.memory_space<hbm>>
      %dma_start3A_667 = arith.constant 0 : i32
      %dma_start3A_668 = arith.constant 0 : i32
      %dma_start3A_669 = tpu.memref_slice %arg6[%dma_start3A_658, %dma_start3A_667, %dma_start3A_668] : memref<10x64x128xf32, #tpu.memory_space<vmem>> -> memref<1x64x128xf32, #tpu.memory_space<vmem>>
      %dma_start3A_670 = tpu.memref_squeeze %dma_start3A_669 : memref<1x64x128xf32, #tpu.memory_space<vmem>> -> memref<64x128xf32, #tpu.memory_space<vmem>>
      tpu.enqueue_dma source(%dma_start3A_670 : memref<64x128xf32, #tpu.memory_space<vmem>>) target(%dma_start3A_666 : memref<64x128xf32, #tpu.memory_space<hbm>>) target_semaphore(%arg20 : memref<!tpu.dma_semaphore, #tpu.memory_space<semaphore_mem>>)
      %mul3A_671 = arith.constant 10 : i32
      %mul3A_672 = arith.muli %scan3A_546, %mul3A_671 : i32
      %add3A_673 = arith.constant 4 : i32
      %add3A_674 = arith.addi %mul3A_672, %add3A_673 : i32
      %dma_wait3A_675 = arith.constant 4 : i32
      %dma_wait3A_676 = arith.constant 0 : i32
      %dma_wait3A_677 = arith.constant 0 : i32
      %dma_wait3A_678 = tpu.memref_slice %arg6[%dma_wait3A_675, %dma_wait3A_676, %dma_wait3A_677] : memref<10x64x128xf32, #tpu.memory_space<vmem>> -> memref<1x64x128xf32, #tpu.memory_space<vmem>>
      %dma_wait3A_679 = tpu.memref_squeeze %dma_wait3A_678 : memref<1x64x128xf32, #tpu.memory_space<vmem>> -> memref<64x128xf32, #tpu.memory_space<vmem>>
      %dma_wait3A_680 = arith.constant 0 : i32
      %dma_wait3A_681 = tpu.memref_slice %arg5[%add3A_674, %dma_wait3A_680] : memref<100x64xi32, #tpu.memory_space<vmem>> -> memref<1x64xi32, #tpu.memory_space<vmem>>
      %dma_wait3A_682 = tpu.memref_squeeze %dma_wait3A_681 : memref<1x64xi32, #tpu.memory_space<vmem>> -> memref<64xi32, #tpu.memory_space<vmem>>
      %dma_wait3A_683 = arith.constant 0 : i32
      %dma_wait3A_684 = arith.constant 0 : i32
      %dma_wait3A_685 = tpu.memref_slice %arg2[%dma_wait3A_683, %dma_wait3A_684] : memref<100000x128xf32, #tpu.memory_space<hbm>> -> memref<100000x128xf32, #tpu.memory_space<hbm>>
      tpu.wait_indirect_dma semaphore(%arg11 : memref<!tpu.dma_semaphore, #tpu.memory_space<semaphore_mem>>) src(%dma_wait3A_685 : memref<100000x128xf32, #tpu.memory_space<hbm>>) dst(%dma_wait3A_679 : memref<64x128xf32, #tpu.memory_space<vmem>>)
      %mul3A_686 = arith.constant 64 : i32
      %mul3A_687 = arith.muli %add3A_674, %mul3A_686 : i32
      %add3A_688 = arith.addi %mul3A_2, %mul3A_687 : i32
      %dma_start3A_689 = arith.constant 4 : i32
      %dma_start3A_690 = arith.constant 0 : i32
      %dma_start3A_691 = arith.constant 0 : i32
      %dma_start3A_692 = tpu.memref_slice %arg6[%dma_start3A_689, %dma_start3A_690, %dma_start3A_691] : memref<10x64x128xf32, #tpu.memory_space<vmem>> -> memref<1x64x128xf32, #tpu.memory_space<vmem>>
      %dma_start3A_693 = tpu.memref_squeeze %dma_start3A_692 : memref<1x64x128xf32, #tpu.memory_space<vmem>> -> memref<64x128xf32, #tpu.memory_space<vmem>>
      %dma_start3A_694 = arith.constant 0 : i32
      %dma_start3A_695 = tpu.memref_slice %arg4[%add3A_688, %dma_start3A_694] : memref<204800x128xf32, #tpu.memory_space<hbm>> -> memref<64x128xf32, #tpu.memory_space<hbm>>
      %dma_start3A_696 = arith.constant 0 : i32
      %dma_start3A_697 = tpu.memref_slice %arg4[%add3A_688, %dma_start3A_696] : memref<204800x128xf32, #tpu.memory_space<hbm>> -> memref<64x128xf32, #tpu.memory_space<hbm>>
      %dma_start3A_698 = arith.constant 0 : i32
      %dma_start3A_699 = arith.constant 0 : i32
      %dma_start3A_700 = tpu.memref_slice %arg6[%dma_start3A_689, %dma_start3A_698, %dma_start3A_699] : memref<10x64x128xf32, #tpu.memory_space<vmem>> -> memref<1x64x128xf32, #tpu.memory_space<vmem>>
      %dma_start3A_701 = tpu.memref_squeeze %dma_start3A_700 : memref<1x64x128xf32, #tpu.memory_space<vmem>> -> memref<64x128xf32, #tpu.memory_space<vmem>>
      tpu.enqueue_dma source(%dma_start3A_701 : memref<64x128xf32, #tpu.memory_space<vmem>>) target(%dma_start3A_697 : memref<64x128xf32, #tpu.memory_space<hbm>>) target_semaphore(%arg21 : memref<!tpu.dma_semaphore, #tpu.memory_space<semaphore_mem>>)
      %mul3A_702 = arith.constant 10 : i32
      %mul3A_703 = arith.muli %scan3A_546, %mul3A_702 : i32
      %add3A_704 = arith.constant 5 : i32
      %add3A_705 = arith.addi %mul3A_703, %add3A_704 : i32
      %dma_wait3A_706 = arith.constant 5 : i32
      %dma_wait3A_707 = arith.constant 0 : i32
      %dma_wait3A_708 = arith.constant 0 : i32
      %dma_wait3A_709 = tpu.memref_slice %arg6[%dma_wait3A_706, %dma_wait3A_707, %dma_wait3A_708] : memref<10x64x128xf32, #tpu.memory_space<vmem>> -> memref<1x64x128xf32, #tpu.memory_space<vmem>>
      %dma_wait3A_710 = tpu.memref_squeeze %dma_wait3A_709 : memref<1x64x128xf32, #tpu.memory_space<vmem>> -> memref<64x128xf32, #tpu.memory_space<vmem>>
      %dma_wait3A_711 = arith.constant 0 : i32
      %dma_wait3A_712 = tpu.memref_slice %arg5[%add3A_705, %dma_wait3A_711] : memref<100x64xi32, #tpu.memory_space<vmem>> -> memref<1x64xi32, #tpu.memory_space<vmem>>
      %dma_wait3A_713 = tpu.memref_squeeze %dma_wait3A_712 : memref<1x64xi32, #tpu.memory_space<vmem>> -> memref<64xi32, #tpu.memory_space<vmem>>
      %dma_wait3A_714 = arith.constant 0 : i32
      %dma_wait3A_715 = arith.constant 0 : i32
      %dma_wait3A_716 = tpu.memref_slice %arg2[%dma_wait3A_714, %dma_wait3A_715] : memref<100000x128xf32, #tpu.memory_space<hbm>> -> memref<100000x128xf32, #tpu.memory_space<hbm>>
      tpu.wait_indirect_dma semaphore(%arg12 : memref<!tpu.dma_semaphore, #tpu.memory_space<semaphore_mem>>) src(%dma_wait3A_716 : memref<100000x128xf32, #tpu.memory_space<hbm>>) dst(%dma_wait3A_710 : memref<64x128xf32, #tpu.memory_space<vmem>>)
      %mul3A_717 = arith.constant 64 : i32
      %mul3A_718 = arith.muli %add3A_705, %mul3A_717 : i32
      %add3A_719 = arith.addi %mul3A_2, %mul3A_718 : i32
      %dma_start3A_720 = arith.constant 5 : i32
      %dma_start3A_721 = arith.constant 0 : i32
      %dma_start3A_722 = arith.constant 0 : i32
      %dma_start3A_723 = tpu.memref_slice %arg6[%dma_start3A_720, %dma_start3A_721, %dma_start3A_722] : memref<10x64x128xf32, #tpu.memory_space<vmem>> -> memref<1x64x128xf32, #tpu.memory_space<vmem>>
      %dma_start3A_724 = tpu.memref_squeeze %dma_start3A_723 : memref<1x64x128xf32, #tpu.memory_space<vmem>> -> memref<64x128xf32, #tpu.memory_space<vmem>>
      %dma_start3A_725 = arith.constant 0 : i32
      %dma_start3A_726 = tpu.memref_slice %arg4[%add3A_719, %dma_start3A_725] : memref<204800x128xf32, #tpu.memory_space<hbm>> -> memref<64x128xf32, #tpu.memory_space<hbm>>
      %dma_start3A_727 = arith.constant 0 : i32
      %dma_start3A_728 = tpu.memref_slice %arg4[%add3A_719, %dma_start3A_727] : memref<204800x128xf32, #tpu.memory_space<hbm>> -> memref<64x128xf32, #tpu.memory_space<hbm>>
      %dma_start3A_729 = arith.constant 0 : i32
      %dma_start3A_730 = arith.constant 0 : i32
      %dma_start3A_731 = tpu.memref_slice %arg6[%dma_start3A_720, %dma_start3A_729, %dma_start3A_730] : memref<10x64x128xf32, #tpu.memory_space<vmem>> -> memref<1x64x128xf32, #tpu.memory_space<vmem>>
      %dma_start3A_732 = tpu.memref_squeeze %dma_start3A_731 : memref<1x64x128xf32, #tpu.memory_space<vmem>> -> memref<64x128xf32, #tpu.memory_space<vmem>>
      tpu.enqueue_dma source(%dma_start3A_732 : memref<64x128xf32, #tpu.memory_space<vmem>>) target(%dma_start3A_728 : memref<64x128xf32, #tpu.memory_space<hbm>>) target_semaphore(%arg22 : memref<!tpu.dma_semaphore, #tpu.memory_space<semaphore_mem>>)
      %mul3A_733 = arith.constant 10 : i32
      %mul3A_734 = arith.muli %scan3A_546, %mul3A_733 : i32
      %add3A_735 = arith.constant 6 : i32
      %add3A_736 = arith.addi %mul3A_734, %add3A_735 : i32
      %dma_wait3A_737 = arith.constant 6 : i32
      %dma_wait3A_738 = arith.constant 0 : i32
      %dma_wait3A_739 = arith.constant 0 : i32
      %dma_wait3A_740 = tpu.memref_slice %arg6[%dma_wait3A_737, %dma_wait3A_738, %dma_wait3A_739] : memref<10x64x128xf32, #tpu.memory_space<vmem>> -> memref<1x64x128xf32, #tpu.memory_space<vmem>>
      %dma_wait3A_741 = tpu.memref_squeeze %dma_wait3A_740 : memref<1x64x128xf32, #tpu.memory_space<vmem>> -> memref<64x128xf32, #tpu.memory_space<vmem>>
      %dma_wait3A_742 = arith.constant 0 : i32
      %dma_wait3A_743 = tpu.memref_slice %arg5[%add3A_736, %dma_wait3A_742] : memref<100x64xi32, #tpu.memory_space<vmem>> -> memref<1x64xi32, #tpu.memory_space<vmem>>
      %dma_wait3A_744 = tpu.memref_squeeze %dma_wait3A_743 : memref<1x64xi32, #tpu.memory_space<vmem>> -> memref<64xi32, #tpu.memory_space<vmem>>
      %dma_wait3A_745 = arith.constant 0 : i32
      %dma_wait3A_746 = arith.constant 0 : i32
      %dma_wait3A_747 = tpu.memref_slice %arg2[%dma_wait3A_745, %dma_wait3A_746] : memref<100000x128xf32, #tpu.memory_space<hbm>> -> memref<100000x128xf32, #tpu.memory_space<hbm>>
      tpu.wait_indirect_dma semaphore(%arg13 : memref<!tpu.dma_semaphore, #tpu.memory_space<semaphore_mem>>) src(%dma_wait3A_747 : memref<100000x128xf32, #tpu.memory_space<hbm>>) dst(%dma_wait3A_741 : memref<64x128xf32, #tpu.memory_space<vmem>>)
      %mul3A_748 = arith.constant 64 : i32
      %mul3A_749 = arith.muli %add3A_736, %mul3A_748 : i32
      %add3A_750 = arith.addi %mul3A_2, %mul3A_749 : i32
      %dma_start3A_751 = arith.constant 6 : i32
      %dma_start3A_752 = arith.constant 0 : i32
      %dma_start3A_753 = arith.constant 0 : i32
      %dma_start3A_754 = tpu.memref_slice %arg6[%dma_start3A_751, %dma_start3A_752, %dma_start3A_753] : memref<10x64x128xf32, #tpu.memory_space<vmem>> -> memref<1x64x128xf32, #tpu.memory_space<vmem>>
      %dma_start3A_755 = tpu.memref_squeeze %dma_start3A_754 : memref<1x64x128xf32, #tpu.memory_space<vmem>> -> memref<64x128xf32, #tpu.memory_space<vmem>>
      %dma_start3A_756 = arith.constant 0 : i32
      %dma_start3A_757 = tpu.memref_slice %arg4[%add3A_750, %dma_start3A_756] : memref<204800x128xf32, #tpu.memory_space<hbm>> -> memref<64x128xf32, #tpu.memory_space<hbm>>
      %dma_start3A_758 = arith.constant 0 : i32
      %dma_start3A_759 = tpu.memref_slice %arg4[%add3A_750, %dma_start3A_758] : memref<204800x128xf32, #tpu.memory_space<hbm>> -> memref<64x128xf32, #tpu.memory_space<hbm>>
      %dma_start3A_760 = arith.constant 0 : i32
      %dma_start3A_761 = arith.constant 0 : i32
      %dma_start3A_762 = tpu.memref_slice %arg6[%dma_start3A_751, %dma_start3A_760, %dma_start3A_761] : memref<10x64x128xf32, #tpu.memory_space<vmem>> -> memref<1x64x128xf32, #tpu.memory_space<vmem>>
      %dma_start3A_763 = tpu.memref_squeeze %dma_start3A_762 : memref<1x64x128xf32, #tpu.memory_space<vmem>> -> memref<64x128xf32, #tpu.memory_space<vmem>>
      tpu.enqueue_dma source(%dma_start3A_763 : memref<64x128xf32, #tpu.memory_space<vmem>>) target(%dma_start3A_759 : memref<64x128xf32, #tpu.memory_space<hbm>>) target_semaphore(%arg23 : memref<!tpu.dma_semaphore, #tpu.memory_space<semaphore_mem>>)
      %mul3A_764 = arith.constant 10 : i32
      %mul3A_765 = arith.muli %scan3A_546, %mul3A_764 : i32
      %add3A_766 = arith.constant 7 : i32
      %add3A_767 = arith.addi %mul3A_765, %add3A_766 : i32
      %dma_wait3A_768 = arith.constant 7 : i32
      %dma_wait3A_769 = arith.constant 0 : i32
      %dma_wait3A_770 = arith.constant 0 : i32
      %dma_wait3A_771 = tpu.memref_slice %arg6[%dma_wait3A_768, %dma_wait3A_769, %dma_wait3A_770] : memref<10x64x128xf32, #tpu.memory_space<vmem>> -> memref<1x64x128xf32, #tpu.memory_space<vmem>>
      %dma_wait3A_772 = tpu.memref_squeeze %dma_wait3A_771 : memref<1x64x128xf32, #tpu.memory_space<vmem>> -> memref<64x128xf32, #tpu.memory_space<vmem>>
      %dma_wait3A_773 = arith.constant 0 : i32
      %dma_wait3A_774 = tpu.memref_slice %arg5[%add3A_767, %dma_wait3A_773] : memref<100x64xi32, #tpu.memory_space<vmem>> -> memref<1x64xi32, #tpu.memory_space<vmem>>
      %dma_wait3A_775 = tpu.memref_squeeze %dma_wait3A_774 : memref<1x64xi32, #tpu.memory_space<vmem>> -> memref<64xi32, #tpu.memory_space<vmem>>
      %dma_wait3A_776 = arith.constant 0 : i32
      %dma_wait3A_777 = arith.constant 0 : i32
      %dma_wait3A_778 = tpu.memref_slice %arg2[%dma_wait3A_776, %dma_wait3A_777] : memref<100000x128xf32, #tpu.memory_space<hbm>> -> memref<100000x128xf32, #tpu.memory_space<hbm>>
      tpu.wait_indirect_dma semaphore(%arg14 : memref<!tpu.dma_semaphore, #tpu.memory_space<semaphore_mem>>) src(%dma_wait3A_778 : memref<100000x128xf32, #tpu.memory_space<hbm>>) dst(%dma_wait3A_772 : memref<64x128xf32, #tpu.memory_space<vmem>>)
      %mul3A_779 = arith.constant 64 : i32
      %mul3A_780 = arith.muli %add3A_767, %mul3A_779 : i32
      %add3A_781 = arith.addi %mul3A_2, %mul3A_780 : i32
      %dma_start3A_782 = arith.constant 7 : i32
      %dma_start3A_783 = arith.constant 0 : i32
      %dma_start3A_784 = arith.constant 0 : i32
      %dma_start3A_785 = tpu.memref_slice %arg6[%dma_start3A_782, %dma_start3A_783, %dma_start3A_784] : memref<10x64x128xf32, #tpu.memory_space<vmem>> -> memref<1x64x128xf32, #tpu.memory_space<vmem>>
      %dma_start3A_786 = tpu.memref_squeeze %dma_start3A_785 : memref<1x64x128xf32, #tpu.memory_space<vmem>> -> memref<64x128xf32, #tpu.memory_space<vmem>>
      %dma_start3A_787 = arith.constant 0 : i32
      %dma_start3A_788 = tpu.memref_slice %arg4[%add3A_781, %dma_start3A_787] : memref<204800x128xf32, #tpu.memory_space<hbm>> -> memref<64x128xf32, #tpu.memory_space<hbm>>
      %dma_start3A_789 = arith.constant 0 : i32
      %dma_start3A_790 = tpu.memref_slice %arg4[%add3A_781, %dma_start3A_789] : memref<204800x128xf32, #tpu.memory_space<hbm>> -> memref<64x128xf32, #tpu.memory_space<hbm>>
      %dma_start3A_791 = arith.constant 0 : i32
      %dma_start3A_792 = arith.constant 0 : i32
      %dma_start3A_793 = tpu.memref_slice %arg6[%dma_start3A_782, %dma_start3A_791, %dma_start3A_792] : memref<10x64x128xf32, #tpu.memory_space<vmem>> -> memref<1x64x128xf32, #tpu.memory_space<vmem>>
      %dma_start3A_794 = tpu.memref_squeeze %dma_start3A_793 : memref<1x64x128xf32, #tpu.memory_space<vmem>> -> memref<64x128xf32, #tpu.memory_space<vmem>>
      tpu.enqueue_dma source(%dma_start3A_794 : memref<64x128xf32, #tpu.memory_space<vmem>>) target(%dma_start3A_790 : memref<64x128xf32, #tpu.memory_space<hbm>>) target_semaphore(%arg24 : memref<!tpu.dma_semaphore, #tpu.memory_space<semaphore_mem>>)
      %mul3A_795 = arith.constant 10 : i32
      %mul3A_796 = arith.muli %scan3A_546, %mul3A_795 : i32
      %add3A_797 = arith.constant 8 : i32
      %add3A_798 = arith.addi %mul3A_796, %add3A_797 : i32
      %dma_wait3A_799 = arith.constant 8 : i32
      %dma_wait3A_800 = arith.constant 0 : i32
      %dma_wait3A_801 = arith.constant 0 : i32
      %dma_wait3A_802 = tpu.memref_slice %arg6[%dma_wait3A_799, %dma_wait3A_800, %dma_wait3A_801] : memref<10x64x128xf32, #tpu.memory_space<vmem>> -> memref<1x64x128xf32, #tpu.memory_space<vmem>>
      %dma_wait3A_803 = tpu.memref_squeeze %dma_wait3A_802 : memref<1x64x128xf32, #tpu.memory_space<vmem>> -> memref<64x128xf32, #tpu.memory_space<vmem>>
      %dma_wait3A_804 = arith.constant 0 : i32
      %dma_wait3A_805 = tpu.memref_slice %arg5[%add3A_798, %dma_wait3A_804] : memref<100x64xi32, #tpu.memory_space<vmem>> -> memref<1x64xi32, #tpu.memory_space<vmem>>
      %dma_wait3A_806 = tpu.memref_squeeze %dma_wait3A_805 : memref<1x64xi32, #tpu.memory_space<vmem>> -> memref<64xi32, #tpu.memory_space<vmem>>
      %dma_wait3A_807 = arith.constant 0 : i32
      %dma_wait3A_808 = arith.constant 0 : i32
      %dma_wait3A_809 = tpu.memref_slice %arg2[%dma_wait3A_807, %dma_wait3A_808] : memref<100000x128xf32, #tpu.memory_space<hbm>> -> memref<100000x128xf32, #tpu.memory_space<hbm>>
      tpu.wait_indirect_dma semaphore(%arg15 : memref<!tpu.dma_semaphore, #tpu.memory_space<semaphore_mem>>) src(%dma_wait3A_809 : memref<100000x128xf32, #tpu.memory_space<hbm>>) dst(%dma_wait3A_803 : memref<64x128xf32, #tpu.memory_space<vmem>>)
      %mul3A_810 = arith.constant 64 : i32
      %mul3A_811 = arith.muli %add3A_798, %mul3A_810 : i32
      %add3A_812 = arith.addi %mul3A_2, %mul3A_811 : i32
      %dma_start3A_813 = arith.constant 8 : i32
      %dma_start3A_814 = arith.constant 0 : i32
      %dma_start3A_815 = arith.constant 0 : i32
      %dma_start3A_816 = tpu.memref_slice %arg6[%dma_start3A_813, %dma_start3A_814, %dma_start3A_815] : memref<10x64x128xf32, #tpu.memory_space<vmem>> -> memref<1x64x128xf32, #tpu.memory_space<vmem>>
      %dma_start3A_817 = tpu.memref_squeeze %dma_start3A_816 : memref<1x64x128xf32, #tpu.memory_space<vmem>> -> memref<64x128xf32, #tpu.memory_space<vmem>>
      %dma_start3A_818 = arith.constant 0 : i32
      %dma_start3A_819 = tpu.memref_slice %arg4[%add3A_812, %dma_start3A_818] : memref<204800x128xf32, #tpu.memory_space<hbm>> -> memref<64x128xf32, #tpu.memory_space<hbm>>
      %dma_start3A_820 = arith.constant 0 : i32
      %dma_start3A_821 = tpu.memref_slice %arg4[%add3A_812, %dma_start3A_820] : memref<204800x128xf32, #tpu.memory_space<hbm>> -> memref<64x128xf32, #tpu.memory_space<hbm>>
      %dma_start3A_822 = arith.constant 0 : i32
      %dma_start3A_823 = arith.constant 0 : i32
      %dma_start3A_824 = tpu.memref_slice %arg6[%dma_start3A_813, %dma_start3A_822, %dma_start3A_823] : memref<10x64x128xf32, #tpu.memory_space<vmem>> -> memref<1x64x128xf32, #tpu.memory_space<vmem>>
      %dma_start3A_825 = tpu.memref_squeeze %dma_start3A_824 : memref<1x64x128xf32, #tpu.memory_space<vmem>> -> memref<64x128xf32, #tpu.memory_space<vmem>>
      tpu.enqueue_dma source(%dma_start3A_825 : memref<64x128xf32, #tpu.memory_space<vmem>>) target(%dma_start3A_821 : memref<64x128xf32, #tpu.memory_space<hbm>>) target_semaphore(%arg25 : memref<!tpu.dma_semaphore, #tpu.memory_space<semaphore_mem>>)
      %mul3A_826 = arith.constant 10 : i32
      %mul3A_827 = arith.muli %scan3A_546, %mul3A_826 : i32
      %add3A_828 = arith.constant 9 : i32
      %add3A_829 = arith.addi %mul3A_827, %add3A_828 : i32
      %dma_wait3A_830 = arith.constant 9 : i32
      %dma_wait3A_831 = arith.constant 0 : i32
      %dma_wait3A_832 = arith.constant 0 : i32
      %dma_wait3A_833 = tpu.memref_slice %arg6[%dma_wait3A_830, %dma_wait3A_831, %dma_wait3A_832] : memref<10x64x128xf32, #tpu.memory_space<vmem>> -> memref<1x64x128xf32, #tpu.memory_space<vmem>>
      %dma_wait3A_834 = tpu.memref_squeeze %dma_wait3A_833 : memref<1x64x128xf32, #tpu.memory_space<vmem>> -> memref<64x128xf32, #tpu.memory_space<vmem>>
      %dma_wait3A_835 = arith.constant 0 : i32
      %dma_wait3A_836 = tpu.memref_slice %arg5[%add3A_829, %dma_wait3A_835] : memref<100x64xi32, #tpu.memory_space<vmem>> -> memref<1x64xi32, #tpu.memory_space<vmem>>
      %dma_wait3A_837 = tpu.memref_squeeze %dma_wait3A_836 : memref<1x64xi32, #tpu.memory_space<vmem>> -> memref<64xi32, #tpu.memory_space<vmem>>
      %dma_wait3A_838 = arith.constant 0 : i32
      %dma_wait3A_839 = arith.constant 0 : i32
      %dma_wait3A_840 = tpu.memref_slice %arg2[%dma_wait3A_838, %dma_wait3A_839] : memref<100000x128xf32, #tpu.memory_space<hbm>> -> memref<100000x128xf32, #tpu.memory_space<hbm>>
      tpu.wait_indirect_dma semaphore(%arg16 : memref<!tpu.dma_semaphore, #tpu.memory_space<semaphore_mem>>) src(%dma_wait3A_840 : memref<100000x128xf32, #tpu.memory_space<hbm>>) dst(%dma_wait3A_834 : memref<64x128xf32, #tpu.memory_space<vmem>>)
      %mul3A_841 = arith.constant 64 : i32
      %mul3A_842 = arith.muli %add3A_829, %mul3A_841 : i32
      %add3A_843 = arith.addi %mul3A_2, %mul3A_842 : i32
      %dma_start3A_844 = arith.constant 9 : i32
      %dma_start3A_845 = arith.constant 0 : i32
      %dma_start3A_846 = arith.constant 0 : i32
      %dma_start3A_847 = tpu.memref_slice %arg6[%dma_start3A_844, %dma_start3A_845, %dma_start3A_846] : memref<10x64x128xf32, #tpu.memory_space<vmem>> -> memref<1x64x128xf32, #tpu.memory_space<vmem>>
      %dma_start3A_848 = tpu.memref_squeeze %dma_start3A_847 : memref<1x64x128xf32, #tpu.memory_space<vmem>> -> memref<64x128xf32, #tpu.memory_space<vmem>>
      %dma_start3A_849 = arith.constant 0 : i32
      %dma_start3A_850 = tpu.memref_slice %arg4[%add3A_843, %dma_start3A_849] : memref<204800x128xf32, #tpu.memory_space<hbm>> -> memref<64x128xf32, #tpu.memory_space<hbm>>
      %dma_start3A_851 = arith.constant 0 : i32
      %dma_start3A_852 = tpu.memref_slice %arg4[%add3A_843, %dma_start3A_851] : memref<204800x128xf32, #tpu.memory_space<hbm>> -> memref<64x128xf32, #tpu.memory_space<hbm>>
      %dma_start3A_853 = arith.constant 0 : i32
      %dma_start3A_854 = arith.constant 0 : i32
      %dma_start3A_855 = tpu.memref_slice %arg6[%dma_start3A_844, %dma_start3A_853, %dma_start3A_854] : memref<10x64x128xf32, #tpu.memory_space<vmem>> -> memref<1x64x128xf32, #tpu.memory_space<vmem>>
      %dma_start3A_856 = tpu.memref_squeeze %dma_start3A_855 : memref<1x64x128xf32, #tpu.memory_space<vmem>> -> memref<64x128xf32, #tpu.memory_space<vmem>>
      tpu.enqueue_dma source(%dma_start3A_856 : memref<64x128xf32, #tpu.memory_space<vmem>>) target(%dma_start3A_852 : memref<64x128xf32, #tpu.memory_space<hbm>>) target_semaphore(%arg26 : memref<!tpu.dma_semaphore, #tpu.memory_space<semaphore_mem>>)
      %mul3A_857 = arith.constant 10 : i32
      %mul3A_858 = arith.muli %scan3A_546, %mul3A_857 : i32
      %add3A_859 = arith.constant 0 : i32
      %add3A_860 = arith.addi %mul3A_858, %add3A_859 : i32
      %mul3A_861 = arith.constant 64 : i32
      %mul3A_862 = arith.muli %add3A_860, %mul3A_861 : i32
      %add3A_863 = arith.addi %mul3A_2, %mul3A_862 : i32
      %dma_wait3A_864 = arith.constant 0 : i32
      %dma_wait3A_865 = arith.constant 0 : i32
      %dma_wait3A_866 = arith.constant 0 : i32
      %dma_wait3A_867 = tpu.memref_slice %arg6[%dma_wait3A_864, %dma_wait3A_865, %dma_wait3A_866] : memref<10x64x128xf32, #tpu.memory_space<vmem>> -> memref<1x64x128xf32, #tpu.memory_space<vmem>>
      %dma_wait3A_868 = tpu.memref_squeeze %dma_wait3A_867 : memref<1x64x128xf32, #tpu.memory_space<vmem>> -> memref<64x128xf32, #tpu.memory_space<vmem>>
      %dma_wait3A_869 = arith.constant 0 : i32
      %dma_wait3A_870 = tpu.memref_slice %arg4[%add3A_863, %dma_wait3A_869] : memref<204800x128xf32, #tpu.memory_space<hbm>> -> memref<64x128xf32, #tpu.memory_space<hbm>>
      %dma_wait3A_871 = arith.constant 0 : i32
      %dma_wait3A_872 = tpu.memref_slice %arg4[%add3A_863, %dma_wait3A_871] : memref<204800x128xf32, #tpu.memory_space<hbm>> -> memref<64x128xf32, #tpu.memory_space<hbm>>
      %dma_wait3A_873 = arith.constant 0 : i32
      %dma_wait3A_874 = arith.constant 0 : i32
      %dma_wait3A_875 = tpu.memref_slice %arg6[%dma_wait3A_864, %dma_wait3A_873, %dma_wait3A_874] : memref<10x64x128xf32, #tpu.memory_space<vmem>> -> memref<1x64x128xf32, #tpu.memory_space<vmem>>
      %dma_wait3A_876 = tpu.memref_squeeze %dma_wait3A_875 : memref<1x64x128xf32, #tpu.memory_space<vmem>> -> memref<64x128xf32, #tpu.memory_space<vmem>>
      tpu.wait_dma2 semaphore(%arg17 : memref<!tpu.dma_semaphore, #tpu.memory_space<semaphore_mem>>) src(%dma_wait3A_876 : memref<64x128xf32, #tpu.memory_space<vmem>>) dst(%dma_wait3A_872 : memref<64x128xf32, #tpu.memory_space<hbm>>)
      %add3A_877 = arith.constant 10 : i32
      %add3A_878 = arith.addi %add3A_860, %add3A_877 : i32
      %dma_start3A_879 = arith.constant 0 : i32
      %dma_start3A_880 = arith.constant 0 : i32
      %dma_start3A_881 = arith.constant 0 : i32
      %dma_start3A_882 = tpu.memref_slice %arg6[%dma_start3A_879, %dma_start3A_880, %dma_start3A_881] : memref<10x64x128xf32, #tpu.memory_space<vmem>> -> memref<1x64x128xf32, #tpu.memory_space<vmem>>
      %dma_start3A_883 = tpu.memref_squeeze %dma_start3A_882 : memref<1x64x128xf32, #tpu.memory_space<vmem>> -> memref<64x128xf32, #tpu.memory_space<vmem>>
      %dma_start3A_884 = arith.constant 0 : i32
      %dma_start3A_885 = tpu.memref_slice %arg5[%add3A_878, %dma_start3A_884] : memref<100x64xi32, #tpu.memory_space<vmem>> -> memref<1x64xi32, #tpu.memory_space<vmem>>
      %dma_start3A_886 = tpu.memref_squeeze %dma_start3A_885 : memref<1x64xi32, #tpu.memory_space<vmem>> -> memref<64xi32, #tpu.memory_space<vmem>>
      %dma_start3A_887 = arith.constant 0 : i32
      %dma_start3A_888 = arith.constant 0 : i32
      %dma_start3A_889 = tpu.memref_slice %arg2[%dma_start3A_887, %dma_start3A_888] : memref<100000x128xf32, #tpu.memory_space<hbm>> -> memref<100000x128xf32, #tpu.memory_space<hbm>>
      tpu.enqueue_indirect_dma source(%dma_start3A_889 : memref<100000x128xf32, #tpu.memory_space<hbm>>) target(%dma_start3A_883 : memref<64x128xf32, #tpu.memory_space<vmem>>) offsets(%dma_start3A_886 : memref<64xi32, #tpu.memory_space<vmem>>) semaphore(%arg7 : memref<!tpu.dma_semaphore, #tpu.memory_space<semaphore_mem>>)
      %mul3A_890 = arith.constant 10 : i32
      %mul3A_891 = arith.muli %scan3A_546, %mul3A_890 : i32
      %add3A_892 = arith.constant 1 : i32
      %add3A_893 = arith.addi %mul3A_891, %add3A_892 : i32
      %mul3A_894 = arith.constant 64 : i32
      %mul3A_895 = arith.muli %add3A_893, %mul3A_894 : i32
      %add3A_896 = arith.addi %mul3A_2, %mul3A_895 : i32
      %dma_wait3A_897 = arith.constant 1 : i32
      %dma_wait3A_898 = arith.constant 0 : i32
      %dma_wait3A_899 = arith.constant 0 : i32
      %dma_wait3A_900 = tpu.memref_slice %arg6[%dma_wait3A_897, %dma_wait3A_898, %dma_wait3A_899] : memref<10x64x128xf32, #tpu.memory_space<vmem>> -> memref<1x64x128xf32, #tpu.memory_space<vmem>>
      %dma_wait3A_901 = tpu.memref_squeeze %dma_wait3A_900 : memref<1x64x128xf32, #tpu.memory_space<vmem>> -> memref<64x128xf32, #tpu.memory_space<vmem>>
      %dma_wait3A_902 = arith.constant 0 : i32
      %dma_wait3A_903 = tpu.memref_slice %arg4[%add3A_896, %dma_wait3A_902] : memref<204800x128xf32, #tpu.memory_space<hbm>> -> memref<64x128xf32, #tpu.memory_space<hbm>>
      %dma_wait3A_904 = arith.constant 0 : i32
      %dma_wait3A_905 = tpu.memref_slice %arg4[%add3A_896, %dma_wait3A_904] : memref<204800x128xf32, #tpu.memory_space<hbm>> -> memref<64x128xf32, #tpu.memory_space<hbm>>
      %dma_wait3A_906 = arith.constant 0 : i32
      %dma_wait3A_907 = arith.constant 0 : i32
      %dma_wait3A_908 = tpu.memref_slice %arg6[%dma_wait3A_897, %dma_wait3A_906, %dma_wait3A_907] : memref<10x64x128xf32, #tpu.memory_space<vmem>> -> memref<1x64x128xf32, #tpu.memory_space<vmem>>
      %dma_wait3A_909 = tpu.memref_squeeze %dma_wait3A_908 : memref<1x64x128xf32, #tpu.memory_space<vmem>> -> memref<64x128xf32, #tpu.memory_space<vmem>>
      tpu.wait_dma2 semaphore(%arg18 : memref<!tpu.dma_semaphore, #tpu.memory_space<semaphore_mem>>) src(%dma_wait3A_909 : memref<64x128xf32, #tpu.memory_space<vmem>>) dst(%dma_wait3A_905 : memref<64x128xf32, #tpu.memory_space<hbm>>)
      %add3A_910 = arith.constant 10 : i32
      %add3A_911 = arith.addi %add3A_893, %add3A_910 : i32
      %dma_start3A_912 = arith.constant 1 : i32
      %dma_start3A_913 = arith.constant 0 : i32
      %dma_start3A_914 = arith.constant 0 : i32
      %dma_start3A_915 = tpu.memref_slice %arg6[%dma_start3A_912, %dma_start3A_913, %dma_start3A_914] : memref<10x64x128xf32, #tpu.memory_space<vmem>> -> memref<1x64x128xf32, #tpu.memory_space<vmem>>
      %dma_start3A_916 = tpu.memref_squeeze %dma_start3A_915 : memref<1x64x128xf32, #tpu.memory_space<vmem>> -> memref<64x128xf32, #tpu.memory_space<vmem>>
      %dma_start3A_917 = arith.constant 0 : i32
      %dma_start3A_918 = tpu.memref_slice %arg5[%add3A_911, %dma_start3A_917] : memref<100x64xi32, #tpu.memory_space<vmem>> -> memref<1x64xi32, #tpu.memory_space<vmem>>
      %dma_start3A_919 = tpu.memref_squeeze %dma_start3A_918 : memref<1x64xi32, #tpu.memory_space<vmem>> -> memref<64xi32, #tpu.memory_space<vmem>>
      %dma_start3A_920 = arith.constant 0 : i32
      %dma_start3A_921 = arith.constant 0 : i32
      %dma_start3A_922 = tpu.memref_slice %arg2[%dma_start3A_920, %dma_start3A_921] : memref<100000x128xf32, #tpu.memory_space<hbm>> -> memref<100000x128xf32, #tpu.memory_space<hbm>>
      tpu.enqueue_indirect_dma source(%dma_start3A_922 : memref<100000x128xf32, #tpu.memory_space<hbm>>) target(%dma_start3A_916 : memref<64x128xf32, #tpu.memory_space<vmem>>) offsets(%dma_start3A_919 : memref<64xi32, #tpu.memory_space<vmem>>) semaphore(%arg8 : memref<!tpu.dma_semaphore, #tpu.memory_space<semaphore_mem>>)
      %mul3A_923 = arith.constant 10 : i32
      %mul3A_924 = arith.muli %scan3A_546, %mul3A_923 : i32
      %add3A_925 = arith.constant 2 : i32
      %add3A_926 = arith.addi %mul3A_924, %add3A_925 : i32
      %mul3A_927 = arith.constant 64 : i32
      %mul3A_928 = arith.muli %add3A_926, %mul3A_927 : i32
      %add3A_929 = arith.addi %mul3A_2, %mul3A_928 : i32
      %dma_wait3A_930 = arith.constant 2 : i32
      %dma_wait3A_931 = arith.constant 0 : i32
      %dma_wait3A_932 = arith.constant 0 : i32
      %dma_wait3A_933 = tpu.memref_slice %arg6[%dma_wait3A_930, %dma_wait3A_931, %dma_wait3A_932] : memref<10x64x128xf32, #tpu.memory_space<vmem>> -> memref<1x64x128xf32, #tpu.memory_space<vmem>>
      %dma_wait3A_934 = tpu.memref_squeeze %dma_wait3A_933 : memref<1x64x128xf32, #tpu.memory_space<vmem>> -> memref<64x128xf32, #tpu.memory_space<vmem>>
      %dma_wait3A_935 = arith.constant 0 : i32
      %dma_wait3A_936 = tpu.memref_slice %arg4[%add3A_929, %dma_wait3A_935] : memref<204800x128xf32, #tpu.memory_space<hbm>> -> memref<64x128xf32, #tpu.memory_space<hbm>>
      %dma_wait3A_937 = arith.constant 0 : i32
      %dma_wait3A_938 = tpu.memref_slice %arg4[%add3A_929, %dma_wait3A_937] : memref<204800x128xf32, #tpu.memory_space<hbm>> -> memref<64x128xf32, #tpu.memory_space<hbm>>
      %dma_wait3A_939 = arith.constant 0 : i32
      %dma_wait3A_940 = arith.constant 0 : i32
      %dma_wait3A_941 = tpu.memref_slice %arg6[%dma_wait3A_930, %dma_wait3A_939, %dma_wait3A_940] : memref<10x64x128xf32, #tpu.memory_space<vmem>> -> memref<1x64x128xf32, #tpu.memory_space<vmem>>
      %dma_wait3A_942 = tpu.memref_squeeze %dma_wait3A_941 : memref<1x64x128xf32, #tpu.memory_space<vmem>> -> memref<64x128xf32, #tpu.memory_space<vmem>>
      tpu.wait_dma2 semaphore(%arg19 : memref<!tpu.dma_semaphore, #tpu.memory_space<semaphore_mem>>) src(%dma_wait3A_942 : memref<64x128xf32, #tpu.memory_space<vmem>>) dst(%dma_wait3A_938 : memref<64x128xf32, #tpu.memory_space<hbm>>)
      %add3A_943 = arith.constant 10 : i32
      %add3A_944 = arith.addi %add3A_926, %add3A_943 : i32
      %dma_start3A_945 = arith.constant 2 : i32
      %dma_start3A_946 = arith.constant 0 : i32
      %dma_start3A_947 = arith.constant 0 : i32
      %dma_start3A_948 = tpu.memref_slice %arg6[%dma_start3A_945, %dma_start3A_946, %dma_start3A_947] : memref<10x64x128xf32, #tpu.memory_space<vmem>> -> memref<1x64x128xf32, #tpu.memory_space<vmem>>
      %dma_start3A_949 = tpu.memref_squeeze %dma_start3A_948 : memref<1x64x128xf32, #tpu.memory_space<vmem>> -> memref<64x128xf32, #tpu.memory_space<vmem>>
      %dma_start3A_950 = arith.constant 0 : i32
      %dma_start3A_951 = tpu.memref_slice %arg5[%add3A_944, %dma_start3A_950] : memref<100x64xi32, #tpu.memory_space<vmem>> -> memref<1x64xi32, #tpu.memory_space<vmem>>
      %dma_start3A_952 = tpu.memref_squeeze %dma_start3A_951 : memref<1x64xi32, #tpu.memory_space<vmem>> -> memref<64xi32, #tpu.memory_space<vmem>>
      %dma_start3A_953 = arith.constant 0 : i32
      %dma_start3A_954 = arith.constant 0 : i32
      %dma_start3A_955 = tpu.memref_slice %arg2[%dma_start3A_953, %dma_start3A_954] : memref<100000x128xf32, #tpu.memory_space<hbm>> -> memref<100000x128xf32, #tpu.memory_space<hbm>>
      tpu.enqueue_indirect_dma source(%dma_start3A_955 : memref<100000x128xf32, #tpu.memory_space<hbm>>) target(%dma_start3A_949 : memref<64x128xf32, #tpu.memory_space<vmem>>) offsets(%dma_start3A_952 : memref<64xi32, #tpu.memory_space<vmem>>) semaphore(%arg9 : memref<!tpu.dma_semaphore, #tpu.memory_space<semaphore_mem>>)
      %mul3A_956 = arith.constant 10 : i32
      %mul3A_957 = arith.muli %scan3A_546, %mul3A_956 : i32
      %add3A_958 = arith.constant 3 : i32
      %add3A_959 = arith.addi %mul3A_957, %add3A_958 : i32
      %mul3A_960 = arith.constant 64 : i32
      %mul3A_961 = arith.muli %add3A_959, %mul3A_960 : i32
      %add3A_962 = arith.addi %mul3A_2, %mul3A_961 : i32
      %dma_wait3A_963 = arith.constant 3 : i32
      %dma_wait3A_964 = arith.constant 0 : i32
      %dma_wait3A_965 = arith.constant 0 : i32
      %dma_wait3A_966 = tpu.memref_slice %arg6[%dma_wait3A_963, %dma_wait3A_964, %dma_wait3A_965] : memref<10x64x128xf32, #tpu.memory_space<vmem>> -> memref<1x64x128xf32, #tpu.memory_space<vmem>>
      %dma_wait3A_967 = tpu.memref_squeeze %dma_wait3A_966 : memref<1x64x128xf32, #tpu.memory_space<vmem>> -> memref<64x128xf32, #tpu.memory_space<vmem>>
      %dma_wait3A_968 = arith.constant 0 : i32
      %dma_wait3A_969 = tpu.memref_slice %arg4[%add3A_962, %dma_wait3A_968] : memref<204800x128xf32, #tpu.memory_space<hbm>> -> memref<64x128xf32, #tpu.memory_space<hbm>>
      %dma_wait3A_970 = arith.constant 0 : i32
      %dma_wait3A_971 = tpu.memref_slice %arg4[%add3A_962, %dma_wait3A_970] : memref<204800x128xf32, #tpu.memory_space<hbm>> -> memref<64x128xf32, #tpu.memory_space<hbm>>
      %dma_wait3A_972 = arith.constant 0 : i32
      %dma_wait3A_973 = arith.constant 0 : i32
      %dma_wait3A_974 = tpu.memref_slice %arg6[%dma_wait3A_963, %dma_wait3A_972, %dma_wait3A_973] : memref<10x64x128xf32, #tpu.memory_space<vmem>> -> memref<1x64x128xf32, #tpu.memory_space<vmem>>
      %dma_wait3A_975 = tpu.memref_squeeze %dma_wait3A_974 : memref<1x64x128xf32, #tpu.memory_space<vmem>> -> memref<64x128xf32, #tpu.memory_space<vmem>>
      tpu.wait_dma2 semaphore(%arg20 : memref<!tpu.dma_semaphore, #tpu.memory_space<semaphore_mem>>) src(%dma_wait3A_975 : memref<64x128xf32, #tpu.memory_space<vmem>>) dst(%dma_wait3A_971 : memref<64x128xf32, #tpu.memory_space<hbm>>)
      %add3A_976 = arith.constant 10 : i32
      %add3A_977 = arith.addi %add3A_959, %add3A_976 : i32
      %dma_start3A_978 = arith.constant 3 : i32
      %dma_start3A_979 = arith.constant 0 : i32
      %dma_start3A_980 = arith.constant 0 : i32
      %dma_start3A_981 = tpu.memref_slice %arg6[%dma_start3A_978, %dma_start3A_979, %dma_start3A_980] : memref<10x64x128xf32, #tpu.memory_space<vmem>> -> memref<1x64x128xf32, #tpu.memory_space<vmem>>
      %dma_start3A_982 = tpu.memref_squeeze %dma_start3A_981 : memref<1x64x128xf32, #tpu.memory_space<vmem>> -> memref<64x128xf32, #tpu.memory_space<vmem>>
      %dma_start3A_983 = arith.constant 0 : i32
      %dma_start3A_984 = tpu.memref_slice %arg5[%add3A_977, %dma_start3A_983] : memref<100x64xi32, #tpu.memory_space<vmem>> -> memref<1x64xi32, #tpu.memory_space<vmem>>
      %dma_start3A_985 = tpu.memref_squeeze %dma_start3A_984 : memref<1x64xi32, #tpu.memory_space<vmem>> -> memref<64xi32, #tpu.memory_space<vmem>>
      %dma_start3A_986 = arith.constant 0 : i32
      %dma_start3A_987 = arith.constant 0 : i32
      %dma_start3A_988 = tpu.memref_slice %arg2[%dma_start3A_986, %dma_start3A_987] : memref<100000x128xf32, #tpu.memory_space<hbm>> -> memref<100000x128xf32, #tpu.memory_space<hbm>>
      tpu.enqueue_indirect_dma source(%dma_start3A_988 : memref<100000x128xf32, #tpu.memory_space<hbm>>) target(%dma_start3A_982 : memref<64x128xf32, #tpu.memory_space<vmem>>) offsets(%dma_start3A_985 : memref<64xi32, #tpu.memory_space<vmem>>) semaphore(%arg10 : memref<!tpu.dma_semaphore, #tpu.memory_space<semaphore_mem>>)
      %mul3A_989 = arith.constant 10 : i32
      %mul3A_990 = arith.muli %scan3A_546, %mul3A_989 : i32
      %add3A_991 = arith.constant 4 : i32
      %add3A_992 = arith.addi %mul3A_990, %add3A_991 : i32
      %mul3A_993 = arith.constant 64 : i32
      %mul3A_994 = arith.muli %add3A_992, %mul3A_993 : i32
      %add3A_995 = arith.addi %mul3A_2, %mul3A_994 : i32
      %dma_wait3A_996 = arith.constant 4 : i32
      %dma_wait3A_997 = arith.constant 0 : i32
      %dma_wait3A_998 = arith.constant 0 : i32
      %dma_wait3A_999 = tpu.memref_slice %arg6[%dma_wait3A_996, %dma_wait3A_997, %dma_wait3A_998] : memref<10x64x128xf32, #tpu.memory_space<vmem>> -> memref<1x64x128xf32, #tpu.memory_space<vmem>>
      %dma_wait3A_1000 = tpu.memref_squeeze %dma_wait3A_999 : memref<1x64x128xf32, #tpu.memory_space<vmem>> -> memref<64x128xf32, #tpu.memory_space<vmem>>
      %dma_wait3A_1001 = arith.constant 0 : i32
      %dma_wait3A_1002 = tpu.memref_slice %arg4[%add3A_995, %dma_wait3A_1001] : memref<204800x128xf32, #tpu.memory_space<hbm>> -> memref<64x128xf32, #tpu.memory_space<hbm>>
      %dma_wait3A_1003 = arith.constant 0 : i32
      %dma_wait3A_1004 = tpu.memref_slice %arg4[%add3A_995, %dma_wait3A_1003] : memref<204800x128xf32, #tpu.memory_space<hbm>> -> memref<64x128xf32, #tpu.memory_space<hbm>>
      %dma_wait3A_1005 = arith.constant 0 : i32
      %dma_wait3A_1006 = arith.constant 0 : i32
      %dma_wait3A_1007 = tpu.memref_slice %arg6[%dma_wait3A_996, %dma_wait3A_1005, %dma_wait3A_1006] : memref<10x64x128xf32, #tpu.memory_space<vmem>> -> memref<1x64x128xf32, #tpu.memory_space<vmem>>
      %dma_wait3A_1008 = tpu.memref_squeeze %dma_wait3A_1007 : memref<1x64x128xf32, #tpu.memory_space<vmem>> -> memref<64x128xf32, #tpu.memory_space<vmem>>
      tpu.wait_dma2 semaphore(%arg21 : memref<!tpu.dma_semaphore, #tpu.memory_space<semaphore_mem>>) src(%dma_wait3A_1008 : memref<64x128xf32, #tpu.memory_space<vmem>>) dst(%dma_wait3A_1004 : memref<64x128xf32, #tpu.memory_space<hbm>>)
      %add3A_1009 = arith.constant 10 : i32
      %add3A_1010 = arith.addi %add3A_992, %add3A_1009 : i32
      %dma_start3A_1011 = arith.constant 4 : i32
      %dma_start3A_1012 = arith.constant 0 : i32
      %dma_start3A_1013 = arith.constant 0 : i32
      %dma_start3A_1014 = tpu.memref_slice %arg6[%dma_start3A_1011, %dma_start3A_1012, %dma_start3A_1013] : memref<10x64x128xf32, #tpu.memory_space<vmem>> -> memref<1x64x128xf32, #tpu.memory_space<vmem>>
      %dma_start3A_1015 = tpu.memref_squeeze %dma_start3A_1014 : memref<1x64x128xf32, #tpu.memory_space<vmem>> -> memref<64x128xf32, #tpu.memory_space<vmem>>
      %dma_start3A_1016 = arith.constant 0 : i32
      %dma_start3A_1017 = tpu.memref_slice %arg5[%add3A_1010, %dma_start3A_1016] : memref<100x64xi32, #tpu.memory_space<vmem>> -> memref<1x64xi32, #tpu.memory_space<vmem>>
      %dma_start3A_1018 = tpu.memref_squeeze %dma_start3A_1017 : memref<1x64xi32, #tpu.memory_space<vmem>> -> memref<64xi32, #tpu.memory_space<vmem>>
      %dma_start3A_1019 = arith.constant 0 : i32
      %dma_start3A_1020 = arith.constant 0 : i32
      %dma_start3A_1021 = tpu.memref_slice %arg2[%dma_start3A_1019, %dma_start3A_1020] : memref<100000x128xf32, #tpu.memory_space<hbm>> -> memref<100000x128xf32, #tpu.memory_space<hbm>>
      tpu.enqueue_indirect_dma source(%dma_start3A_1021 : memref<100000x128xf32, #tpu.memory_space<hbm>>) target(%dma_start3A_1015 : memref<64x128xf32, #tpu.memory_space<vmem>>) offsets(%dma_start3A_1018 : memref<64xi32, #tpu.memory_space<vmem>>) semaphore(%arg11 : memref<!tpu.dma_semaphore, #tpu.memory_space<semaphore_mem>>)
      %mul3A_1022 = arith.constant 10 : i32
      %mul3A_1023 = arith.muli %scan3A_546, %mul3A_1022 : i32
      %add3A_1024 = arith.constant 5 : i32
      %add3A_1025 = arith.addi %mul3A_1023, %add3A_1024 : i32
      %mul3A_1026 = arith.constant 64 : i32
      %mul3A_1027 = arith.muli %add3A_1025, %mul3A_1026 : i32
      %add3A_1028 = arith.addi %mul3A_2, %mul3A_1027 : i32
      %dma_wait3A_1029 = arith.constant 5 : i32
      %dma_wait3A_1030 = arith.constant 0 : i32
      %dma_wait3A_1031 = arith.constant 0 : i32
      %dma_wait3A_1032 = tpu.memref_slice %arg6[%dma_wait3A_1029, %dma_wait3A_1030, %dma_wait3A_1031] : memref<10x64x128xf32, #tpu.memory_space<vmem>> -> memref<1x64x128xf32, #tpu.memory_space<vmem>>
      %dma_wait3A_1033 = tpu.memref_squeeze %dma_wait3A_1032 : memref<1x64x128xf32, #tpu.memory_space<vmem>> -> memref<64x128xf32, #tpu.memory_space<vmem>>
      %dma_wait3A_1034 = arith.constant 0 : i32
      %dma_wait3A_1035 = tpu.memref_slice %arg4[%add3A_1028, %dma_wait3A_1034] : memref<204800x128xf32, #tpu.memory_space<hbm>> -> memref<64x128xf32, #tpu.memory_space<hbm>>
      %dma_wait3A_1036 = arith.constant 0 : i32
      %dma_wait3A_1037 = tpu.memref_slice %arg4[%add3A_1028, %dma_wait3A_1036] : memref<204800x128xf32, #tpu.memory_space<hbm>> -> memref<64x128xf32, #tpu.memory_space<hbm>>
      %dma_wait3A_1038 = arith.constant 0 : i32
      %dma_wait3A_1039 = arith.constant 0 : i32
      %dma_wait3A_1040 = tpu.memref_slice %arg6[%dma_wait3A_1029, %dma_wait3A_1038, %dma_wait3A_1039] : memref<10x64x128xf32, #tpu.memory_space<vmem>> -> memref<1x64x128xf32, #tpu.memory_space<vmem>>
      %dma_wait3A_1041 = tpu.memref_squeeze %dma_wait3A_1040 : memref<1x64x128xf32, #tpu.memory_space<vmem>> -> memref<64x128xf32, #tpu.memory_space<vmem>>
      tpu.wait_dma2 semaphore(%arg22 : memref<!tpu.dma_semaphore, #tpu.memory_space<semaphore_mem>>) src(%dma_wait3A_1041 : memref<64x128xf32, #tpu.memory_space<vmem>>) dst(%dma_wait3A_1037 : memref<64x128xf32, #tpu.memory_space<hbm>>)
      %add3A_1042 = arith.constant 10 : i32
      %add3A_1043 = arith.addi %add3A_1025, %add3A_1042 : i32
      %dma_start3A_1044 = arith.constant 5 : i32
      %dma_start3A_1045 = arith.constant 0 : i32
      %dma_start3A_1046 = arith.constant 0 : i32
      %dma_start3A_1047 = tpu.memref_slice %arg6[%dma_start3A_1044, %dma_start3A_1045, %dma_start3A_1046] : memref<10x64x128xf32, #tpu.memory_space<vmem>> -> memref<1x64x128xf32, #tpu.memory_space<vmem>>
      %dma_start3A_1048 = tpu.memref_squeeze %dma_start3A_1047 : memref<1x64x128xf32, #tpu.memory_space<vmem>> -> memref<64x128xf32, #tpu.memory_space<vmem>>
      %dma_start3A_1049 = arith.constant 0 : i32
      %dma_start3A_1050 = tpu.memref_slice %arg5[%add3A_1043, %dma_start3A_1049] : memref<100x64xi32, #tpu.memory_space<vmem>> -> memref<1x64xi32, #tpu.memory_space<vmem>>
      %dma_start3A_1051 = tpu.memref_squeeze %dma_start3A_1050 : memref<1x64xi32, #tpu.memory_space<vmem>> -> memref<64xi32, #tpu.memory_space<vmem>>
      %dma_start3A_1052 = arith.constant 0 : i32
      %dma_start3A_1053 = arith.constant 0 : i32
      %dma_start3A_1054 = tpu.memref_slice %arg2[%dma_start3A_1052, %dma_start3A_1053] : memref<100000x128xf32, #tpu.memory_space<hbm>> -> memref<100000x128xf32, #tpu.memory_space<hbm>>
      tpu.enqueue_indirect_dma source(%dma_start3A_1054 : memref<100000x128xf32, #tpu.memory_space<hbm>>) target(%dma_start3A_1048 : memref<64x128xf32, #tpu.memory_space<vmem>>) offsets(%dma_start3A_1051 : memref<64xi32, #tpu.memory_space<vmem>>) semaphore(%arg12 : memref<!tpu.dma_semaphore, #tpu.memory_space<semaphore_mem>>)
      %mul3A_1055 = arith.constant 10 : i32
      %mul3A_1056 = arith.muli %scan3A_546, %mul3A_1055 : i32
      %add3A_1057 = arith.constant 6 : i32
      %add3A_1058 = arith.addi %mul3A_1056, %add3A_1057 : i32
      %mul3A_1059 = arith.constant 64 : i32
      %mul3A_1060 = arith.muli %add3A_1058, %mul3A_1059 : i32
      %add3A_1061 = arith.addi %mul3A_2, %mul3A_1060 : i32
      %dma_wait3A_1062 = arith.constant 6 : i32
      %dma_wait3A_1063 = arith.constant 0 : i32
      %dma_wait3A_1064 = arith.constant 0 : i32
      %dma_wait3A_1065 = tpu.memref_slice %arg6[%dma_wait3A_1062, %dma_wait3A_1063, %dma_wait3A_1064] : memref<10x64x128xf32, #tpu.memory_space<vmem>> -> memref<1x64x128xf32, #tpu.memory_space<vmem>>
      %dma_wait3A_1066 = tpu.memref_squeeze %dma_wait3A_1065 : memref<1x64x128xf32, #tpu.memory_space<vmem>> -> memref<64x128xf32, #tpu.memory_space<vmem>>
      %dma_wait3A_1067 = arith.constant 0 : i32
      %dma_wait3A_1068 = tpu.memref_slice %arg4[%add3A_1061, %dma_wait3A_1067] : memref<204800x128xf32, #tpu.memory_space<hbm>> -> memref<64x128xf32, #tpu.memory_space<hbm>>
      %dma_wait3A_1069 = arith.constant 0 : i32
      %dma_wait3A_1070 = tpu.memref_slice %arg4[%add3A_1061, %dma_wait3A_1069] : memref<204800x128xf32, #tpu.memory_space<hbm>> -> memref<64x128xf32, #tpu.memory_space<hbm>>
      %dma_wait3A_1071 = arith.constant 0 : i32
      %dma_wait3A_1072 = arith.constant 0 : i32
      %dma_wait3A_1073 = tpu.memref_slice %arg6[%dma_wait3A_1062, %dma_wait3A_1071, %dma_wait3A_1072] : memref<10x64x128xf32, #tpu.memory_space<vmem>> -> memref<1x64x128xf32, #tpu.memory_space<vmem>>
      %dma_wait3A_1074 = tpu.memref_squeeze %dma_wait3A_1073 : memref<1x64x128xf32, #tpu.memory_space<vmem>> -> memref<64x128xf32, #tpu.memory_space<vmem>>
      tpu.wait_dma2 semaphore(%arg23 : memref<!tpu.dma_semaphore, #tpu.memory_space<semaphore_mem>>) src(%dma_wait3A_1074 : memref<64x128xf32, #tpu.memory_space<vmem>>) dst(%dma_wait3A_1070 : memref<64x128xf32, #tpu.memory_space<hbm>>)
      %add3A_1075 = arith.constant 10 : i32
      %add3A_1076 = arith.addi %add3A_1058, %add3A_1075 : i32
      %dma_start3A_1077 = arith.constant 6 : i32
      %dma_start3A_1078 = arith.constant 0 : i32
      %dma_start3A_1079 = arith.constant 0 : i32
      %dma_start3A_1080 = tpu.memref_slice %arg6[%dma_start3A_1077, %dma_start3A_1078, %dma_start3A_1079] : memref<10x64x128xf32, #tpu.memory_space<vmem>> -> memref<1x64x128xf32, #tpu.memory_space<vmem>>
      %dma_start3A_1081 = tpu.memref_squeeze %dma_start3A_1080 : memref<1x64x128xf32, #tpu.memory_space<vmem>> -> memref<64x128xf32, #tpu.memory_space<vmem>>
      %dma_start3A_1082 = arith.constant 0 : i32
      %dma_start3A_1083 = tpu.memref_slice %arg5[%add3A_1076, %dma_start3A_1082] : memref<100x64xi32, #tpu.memory_space<vmem>> -> memref<1x64xi32, #tpu.memory_space<vmem>>
      %dma_start3A_1084 = tpu.memref_squeeze %dma_start3A_1083 : memref<1x64xi32, #tpu.memory_space<vmem>> -> memref<64xi32, #tpu.memory_space<vmem>>
      %dma_start3A_1085 = arith.constant 0 : i32
      %dma_start3A_1086 = arith.constant 0 : i32
      %dma_start3A_1087 = tpu.memref_slice %arg2[%dma_start3A_1085, %dma_start3A_1086] : memref<100000x128xf32, #tpu.memory_space<hbm>> -> memref<100000x128xf32, #tpu.memory_space<hbm>>
      tpu.enqueue_indirect_dma source(%dma_start3A_1087 : memref<100000x128xf32, #tpu.memory_space<hbm>>) target(%dma_start3A_1081 : memref<64x128xf32, #tpu.memory_space<vmem>>) offsets(%dma_start3A_1084 : memref<64xi32, #tpu.memory_space<vmem>>) semaphore(%arg13 : memref<!tpu.dma_semaphore, #tpu.memory_space<semaphore_mem>>)
      %mul3A_1088 = arith.constant 10 : i32
      %mul3A_1089 = arith.muli %scan3A_546, %mul3A_1088 : i32
      %add3A_1090 = arith.constant 7 : i32
      %add3A_1091 = arith.addi %mul3A_1089, %add3A_1090 : i32
      %mul3A_1092 = arith.constant 64 : i32
      %mul3A_1093 = arith.muli %add3A_1091, %mul3A_1092 : i32
      %add3A_1094 = arith.addi %mul3A_2, %mul3A_1093 : i32
      %dma_wait3A_1095 = arith.constant 7 : i32
      %dma_wait3A_1096 = arith.constant 0 : i32
      %dma_wait3A_1097 = arith.constant 0 : i32
      %dma_wait3A_1098 = tpu.memref_slice %arg6[%dma_wait3A_1095, %dma_wait3A_1096, %dma_wait3A_1097] : memref<10x64x128xf32, #tpu.memory_space<vmem>> -> memref<1x64x128xf32, #tpu.memory_space<vmem>>
      %dma_wait3A_1099 = tpu.memref_squeeze %dma_wait3A_1098 : memref<1x64x128xf32, #tpu.memory_space<vmem>> -> memref<64x128xf32, #tpu.memory_space<vmem>>
      %dma_wait3A_1100 = arith.constant 0 : i32
      %dma_wait3A_1101 = tpu.memref_slice %arg4[%add3A_1094, %dma_wait3A_1100] : memref<204800x128xf32, #tpu.memory_space<hbm>> -> memref<64x128xf32, #tpu.memory_space<hbm>>
      %dma_wait3A_1102 = arith.constant 0 : i32
      %dma_wait3A_1103 = tpu.memref_slice %arg4[%add3A_1094, %dma_wait3A_1102] : memref<204800x128xf32, #tpu.memory_space<hbm>> -> memref<64x128xf32, #tpu.memory_space<hbm>>
      %dma_wait3A_1104 = arith.constant 0 : i32
      %dma_wait3A_1105 = arith.constant 0 : i32
      %dma_wait3A_1106 = tpu.memref_slice %arg6[%dma_wait3A_1095, %dma_wait3A_1104, %dma_wait3A_1105] : memref<10x64x128xf32, #tpu.memory_space<vmem>> -> memref<1x64x128xf32, #tpu.memory_space<vmem>>
      %dma_wait3A_1107 = tpu.memref_squeeze %dma_wait3A_1106 : memref<1x64x128xf32, #tpu.memory_space<vmem>> -> memref<64x128xf32, #tpu.memory_space<vmem>>
      tpu.wait_dma2 semaphore(%arg24 : memref<!tpu.dma_semaphore, #tpu.memory_space<semaphore_mem>>) src(%dma_wait3A_1107 : memref<64x128xf32, #tpu.memory_space<vmem>>) dst(%dma_wait3A_1103 : memref<64x128xf32, #tpu.memory_space<hbm>>)
      %add3A_1108 = arith.constant 10 : i32
      %add3A_1109 = arith.addi %add3A_1091, %add3A_1108 : i32
      %dma_start3A_1110 = arith.constant 7 : i32
      %dma_start3A_1111 = arith.constant 0 : i32
      %dma_start3A_1112 = arith.constant 0 : i32
      %dma_start3A_1113 = tpu.memref_slice %arg6[%dma_start3A_1110, %dma_start3A_1111, %dma_start3A_1112] : memref<10x64x128xf32, #tpu.memory_space<vmem>> -> memref<1x64x128xf32, #tpu.memory_space<vmem>>
      %dma_start3A_1114 = tpu.memref_squeeze %dma_start3A_1113 : memref<1x64x128xf32, #tpu.memory_space<vmem>> -> memref<64x128xf32, #tpu.memory_space<vmem>>
      %dma_start3A_1115 = arith.constant 0 : i32
      %dma_start3A_1116 = tpu.memref_slice %arg5[%add3A_1109, %dma_start3A_1115] : memref<100x64xi32, #tpu.memory_space<vmem>> -> memref<1x64xi32, #tpu.memory_space<vmem>>
      %dma_start3A_1117 = tpu.memref_squeeze %dma_start3A_1116 : memref<1x64xi32, #tpu.memory_space<vmem>> -> memref<64xi32, #tpu.memory_space<vmem>>
      %dma_start3A_1118 = arith.constant 0 : i32
      %dma_start3A_1119 = arith.constant 0 : i32
      %dma_start3A_1120 = tpu.memref_slice %arg2[%dma_start3A_1118, %dma_start3A_1119] : memref<100000x128xf32, #tpu.memory_space<hbm>> -> memref<100000x128xf32, #tpu.memory_space<hbm>>
      tpu.enqueue_indirect_dma source(%dma_start3A_1120 : memref<100000x128xf32, #tpu.memory_space<hbm>>) target(%dma_start3A_1114 : memref<64x128xf32, #tpu.memory_space<vmem>>) offsets(%dma_start3A_1117 : memref<64xi32, #tpu.memory_space<vmem>>) semaphore(%arg14 : memref<!tpu.dma_semaphore, #tpu.memory_space<semaphore_mem>>)
      %mul3A_1121 = arith.constant 10 : i32
      %mul3A_1122 = arith.muli %scan3A_546, %mul3A_1121 : i32
      %add3A_1123 = arith.constant 8 : i32
      %add3A_1124 = arith.addi %mul3A_1122, %add3A_1123 : i32
      %mul3A_1125 = arith.constant 64 : i32
      %mul3A_1126 = arith.muli %add3A_1124, %mul3A_1125 : i32
      %add3A_1127 = arith.addi %mul3A_2, %mul3A_1126 : i32
      %dma_wait3A_1128 = arith.constant 8 : i32
      %dma_wait3A_1129 = arith.constant 0 : i32
      %dma_wait3A_1130 = arith.constant 0 : i32
      %dma_wait3A_1131 = tpu.memref_slice %arg6[%dma_wait3A_1128, %dma_wait3A_1129, %dma_wait3A_1130] : memref<10x64x128xf32, #tpu.memory_space<vmem>> -> memref<1x64x128xf32, #tpu.memory_space<vmem>>
      %dma_wait3A_1132 = tpu.memref_squeeze %dma_wait3A_1131 : memref<1x64x128xf32, #tpu.memory_space<vmem>> -> memref<64x128xf32, #tpu.memory_space<vmem>>
      %dma_wait3A_1133 = arith.constant 0 : i32
      %dma_wait3A_1134 = tpu.memref_slice %arg4[%add3A_1127, %dma_wait3A_1133] : memref<204800x128xf32, #tpu.memory_space<hbm>> -> memref<64x128xf32, #tpu.memory_space<hbm>>
      %dma_wait3A_1135 = arith.constant 0 : i32
      %dma_wait3A_1136 = tpu.memref_slice %arg4[%add3A_1127, %dma_wait3A_1135] : memref<204800x128xf32, #tpu.memory_space<hbm>> -> memref<64x128xf32, #tpu.memory_space<hbm>>
      %dma_wait3A_1137 = arith.constant 0 : i32
      %dma_wait3A_1138 = arith.constant 0 : i32
      %dma_wait3A_1139 = tpu.memref_slice %arg6[%dma_wait3A_1128, %dma_wait3A_1137, %dma_wait3A_1138] : memref<10x64x128xf32, #tpu.memory_space<vmem>> -> memref<1x64x128xf32, #tpu.memory_space<vmem>>
      %dma_wait3A_1140 = tpu.memref_squeeze %dma_wait3A_1139 : memref<1x64x128xf32, #tpu.memory_space<vmem>> -> memref<64x128xf32, #tpu.memory_space<vmem>>
      tpu.wait_dma2 semaphore(%arg25 : memref<!tpu.dma_semaphore, #tpu.memory_space<semaphore_mem>>) src(%dma_wait3A_1140 : memref<64x128xf32, #tpu.memory_space<vmem>>) dst(%dma_wait3A_1136 : memref<64x128xf32, #tpu.memory_space<hbm>>)
      %add3A_1141 = arith.constant 10 : i32
      %add3A_1142 = arith.addi %add3A_1124, %add3A_1141 : i32
      %dma_start3A_1143 = arith.constant 8 : i32
      %dma_start3A_1144 = arith.constant 0 : i32
      %dma_start3A_1145 = arith.constant 0 : i32
      %dma_start3A_1146 = tpu.memref_slice %arg6[%dma_start3A_1143, %dma_start3A_1144, %dma_start3A_1145] : memref<10x64x128xf32, #tpu.memory_space<vmem>> -> memref<1x64x128xf32, #tpu.memory_space<vmem>>
      %dma_start3A_1147 = tpu.memref_squeeze %dma_start3A_1146 : memref<1x64x128xf32, #tpu.memory_space<vmem>> -> memref<64x128xf32, #tpu.memory_space<vmem>>
      %dma_start3A_1148 = arith.constant 0 : i32
      %dma_start3A_1149 = tpu.memref_slice %arg5[%add3A_1142, %dma_start3A_1148] : memref<100x64xi32, #tpu.memory_space<vmem>> -> memref<1x64xi32, #tpu.memory_space<vmem>>
      %dma_start3A_1150 = tpu.memref_squeeze %dma_start3A_1149 : memref<1x64xi32, #tpu.memory_space<vmem>> -> memref<64xi32, #tpu.memory_space<vmem>>
      %dma_start3A_1151 = arith.constant 0 : i32
      %dma_start3A_1152 = arith.constant 0 : i32
      %dma_start3A_1153 = tpu.memref_slice %arg2[%dma_start3A_1151, %dma_start3A_1152] : memref<100000x128xf32, #tpu.memory_space<hbm>> -> memref<100000x128xf32, #tpu.memory_space<hbm>>
      tpu.enqueue_indirect_dma source(%dma_start3A_1153 : memref<100000x128xf32, #tpu.memory_space<hbm>>) target(%dma_start3A_1147 : memref<64x128xf32, #tpu.memory_space<vmem>>) offsets(%dma_start3A_1150 : memref<64xi32, #tpu.memory_space<vmem>>) semaphore(%arg15 : memref<!tpu.dma_semaphore, #tpu.memory_space<semaphore_mem>>)
      %mul3A_1154 = arith.constant 10 : i32
      %mul3A_1155 = arith.muli %scan3A_546, %mul3A_1154 : i32
      %add3A_1156 = arith.constant 9 : i32
      %add3A_1157 = arith.addi %mul3A_1155, %add3A_1156 : i32
      %mul3A_1158 = arith.constant 64 : i32
      %mul3A_1159 = arith.muli %add3A_1157, %mul3A_1158 : i32
      %add3A_1160 = arith.addi %mul3A_2, %mul3A_1159 : i32
      %dma_wait3A_1161 = arith.constant 9 : i32
      %dma_wait3A_1162 = arith.constant 0 : i32
      %dma_wait3A_1163 = arith.constant 0 : i32
      %dma_wait3A_1164 = tpu.memref_slice %arg6[%dma_wait3A_1161, %dma_wait3A_1162, %dma_wait3A_1163] : memref<10x64x128xf32, #tpu.memory_space<vmem>> -> memref<1x64x128xf32, #tpu.memory_space<vmem>>
      %dma_wait3A_1165 = tpu.memref_squeeze %dma_wait3A_1164 : memref<1x64x128xf32, #tpu.memory_space<vmem>> -> memref<64x128xf32, #tpu.memory_space<vmem>>
      %dma_wait3A_1166 = arith.constant 0 : i32
      %dma_wait3A_1167 = tpu.memref_slice %arg4[%add3A_1160, %dma_wait3A_1166] : memref<204800x128xf32, #tpu.memory_space<hbm>> -> memref<64x128xf32, #tpu.memory_space<hbm>>
      %dma_wait3A_1168 = arith.constant 0 : i32
      %dma_wait3A_1169 = tpu.memref_slice %arg4[%add3A_1160, %dma_wait3A_1168] : memref<204800x128xf32, #tpu.memory_space<hbm>> -> memref<64x128xf32, #tpu.memory_space<hbm>>
      %dma_wait3A_1170 = arith.constant 0 : i32
      %dma_wait3A_1171 = arith.constant 0 : i32
      %dma_wait3A_1172 = tpu.memref_slice %arg6[%dma_wait3A_1161, %dma_wait3A_1170, %dma_wait3A_1171] : memref<10x64x128xf32, #tpu.memory_space<vmem>> -> memref<1x64x128xf32, #tpu.memory_space<vmem>>
      %dma_wait3A_1173 = tpu.memref_squeeze %dma_wait3A_1172 : memref<1x64x128xf32, #tpu.memory_space<vmem>> -> memref<64x128xf32, #tpu.memory_space<vmem>>
      tpu.wait_dma2 semaphore(%arg26 : memref<!tpu.dma_semaphore, #tpu.memory_space<semaphore_mem>>) src(%dma_wait3A_1173 : memref<64x128xf32, #tpu.memory_space<vmem>>) dst(%dma_wait3A_1169 : memref<64x128xf32, #tpu.memory_space<hbm>>)
      %add3A_1174 = arith.constant 10 : i32
      %add3A_1175 = arith.addi %add3A_1157, %add3A_1174 : i32
      %dma_start3A_1176 = arith.constant 9 : i32
      %dma_start3A_1177 = arith.constant 0 : i32
      %dma_start3A_1178 = arith.constant 0 : i32
      %dma_start3A_1179 = tpu.memref_slice %arg6[%dma_start3A_1176, %dma_start3A_1177, %dma_start3A_1178] : memref<10x64x128xf32, #tpu.memory_space<vmem>> -> memref<1x64x128xf32, #tpu.memory_space<vmem>>
      %dma_start3A_1180 = tpu.memref_squeeze %dma_start3A_1179 : memref<1x64x128xf32, #tpu.memory_space<vmem>> -> memref<64x128xf32, #tpu.memory_space<vmem>>
      %dma_start3A_1181 = arith.constant 0 : i32
      %dma_start3A_1182 = tpu.memref_slice %arg5[%add3A_1175, %dma_start3A_1181] : memref<100x64xi32, #tpu.memory_space<vmem>> -> memref<1x64xi32, #tpu.memory_space<vmem>>
      %dma_start3A_1183 = tpu.memref_squeeze %dma_start3A_1182 : memref<1x64xi32, #tpu.memory_space<vmem>> -> memref<64xi32, #tpu.memory_space<vmem>>
      %dma_start3A_1184 = arith.constant 0 : i32
      %dma_start3A_1185 = arith.constant 0 : i32
      %dma_start3A_1186 = tpu.memref_slice %arg2[%dma_start3A_1184, %dma_start3A_1185] : memref<100000x128xf32, #tpu.memory_space<hbm>> -> memref<100000x128xf32, #tpu.memory_space<hbm>>
      tpu.enqueue_indirect_dma source(%dma_start3A_1186 : memref<100000x128xf32, #tpu.memory_space<hbm>>) target(%dma_start3A_1180 : memref<64x128xf32, #tpu.memory_space<vmem>>) offsets(%dma_start3A_1183 : memref<64xi32, #tpu.memory_space<vmem>>) semaphore(%arg16 : memref<!tpu.dma_semaphore, #tpu.memory_space<semaphore_mem>>)
    }
    %scan3A_126 = arith.constant 9 : i32
    %dma_wait3A = arith.constant 90 : i32
    %dma_wait3A_127 = arith.constant 0 : i32
    %dma_wait3A_128 = arith.constant 0 : i32
    %dma_wait3A_129 = arith.constant 0 : i32
    %dma_wait3A_130 = tpu.memref_slice %arg6[%dma_wait3A_127, %dma_wait3A_128, %dma_wait3A_129] : memref<10x64x128xf32, #tpu.memory_space<vmem>> -> memref<1x64x128xf32, #tpu.memory_space<vmem>>
    %dma_wait3A_131 = tpu.memref_squeeze %dma_wait3A_130 : memref<1x64x128xf32, #tpu.memory_space<vmem>> -> memref<64x128xf32, #tpu.memory_space<vmem>>
    %dma_wait3A_132 = arith.constant 0 : i32
    %dma_wait3A_133 = tpu.memref_slice %arg5[%dma_wait3A, %dma_wait3A_132] : memref<100x64xi32, #tpu.memory_space<vmem>> -> memref<1x64xi32, #tpu.memory_space<vmem>>
    %dma_wait3A_134 = tpu.memref_squeeze %dma_wait3A_133 : memref<1x64xi32, #tpu.memory_space<vmem>> -> memref<64xi32, #tpu.memory_space<vmem>>
    %dma_wait3A_135 = arith.constant 0 : i32
    %dma_wait3A_136 = arith.constant 0 : i32
    %dma_wait3A_137 = tpu.memref_slice %arg2[%dma_wait3A_135, %dma_wait3A_136] : memref<100000x128xf32, #tpu.memory_space<hbm>> -> memref<100000x128xf32, #tpu.memory_space<hbm>>
    tpu.wait_indirect_dma semaphore(%arg7 : memref<!tpu.dma_semaphore, #tpu.memory_space<semaphore_mem>>) src(%dma_wait3A_137 : memref<100000x128xf32, #tpu.memory_space<hbm>>) dst(%dma_wait3A_131 : memref<64x128xf32, #tpu.memory_space<vmem>>)
    %add3A_138 = arith.constant 5760 : i32
    %add3A_139 = arith.addi %mul3A_2, %add3A_138 : i32
    %dma_start3A_140 = arith.constant 0 : i32
    %dma_start3A_141 = arith.constant 0 : i32
    %dma_start3A_142 = arith.constant 0 : i32
    %dma_start3A_143 = tpu.memref_slice %arg6[%dma_start3A_140, %dma_start3A_141, %dma_start3A_142] : memref<10x64x128xf32, #tpu.memory_space<vmem>> -> memref<1x64x128xf32, #tpu.memory_space<vmem>>
    %dma_start3A_144 = tpu.memref_squeeze %dma_start3A_143 : memref<1x64x128xf32, #tpu.memory_space<vmem>> -> memref<64x128xf32, #tpu.memory_space<vmem>>
    %dma_start3A_145 = arith.constant 0 : i32
    %dma_start3A_146 = tpu.memref_slice %arg4[%add3A_139, %dma_start3A_145] : memref<204800x128xf32, #tpu.memory_space<hbm>> -> memref<64x128xf32, #tpu.memory_space<hbm>>
    %dma_start3A_147 = arith.constant 0 : i32
    %dma_start3A_148 = tpu.memref_slice %arg4[%add3A_139, %dma_start3A_147] : memref<204800x128xf32, #tpu.memory_space<hbm>> -> memref<64x128xf32, #tpu.memory_space<hbm>>
    %dma_start3A_149 = arith.constant 0 : i32
    %dma_start3A_150 = arith.constant 0 : i32
    %dma_start3A_151 = tpu.memref_slice %arg6[%dma_start3A_140, %dma_start3A_149, %dma_start3A_150] : memref<10x64x128xf32, #tpu.memory_space<vmem>> -> memref<1x64x128xf32, #tpu.memory_space<vmem>>
    %dma_start3A_152 = tpu.memref_squeeze %dma_start3A_151 : memref<1x64x128xf32, #tpu.memory_space<vmem>> -> memref<64x128xf32, #tpu.memory_space<vmem>>
    tpu.enqueue_dma source(%dma_start3A_152 : memref<64x128xf32, #tpu.memory_space<vmem>>) target(%dma_start3A_148 : memref<64x128xf32, #tpu.memory_space<hbm>>) target_semaphore(%arg17 : memref<!tpu.dma_semaphore, #tpu.memory_space<semaphore_mem>>)
    %dma_wait3A_153 = arith.constant 91 : i32
    %dma_wait3A_154 = arith.constant 1 : i32
    %dma_wait3A_155 = arith.constant 0 : i32
    %dma_wait3A_156 = arith.constant 0 : i32
    %dma_wait3A_157 = tpu.memref_slice %arg6[%dma_wait3A_154, %dma_wait3A_155, %dma_wait3A_156] : memref<10x64x128xf32, #tpu.memory_space<vmem>> -> memref<1x64x128xf32, #tpu.memory_space<vmem>>
    %dma_wait3A_158 = tpu.memref_squeeze %dma_wait3A_157 : memref<1x64x128xf32, #tpu.memory_space<vmem>> -> memref<64x128xf32, #tpu.memory_space<vmem>>
    %dma_wait3A_159 = arith.constant 0 : i32
    %dma_wait3A_160 = tpu.memref_slice %arg5[%dma_wait3A_153, %dma_wait3A_159] : memref<100x64xi32, #tpu.memory_space<vmem>> -> memref<1x64xi32, #tpu.memory_space<vmem>>
    %dma_wait3A_161 = tpu.memref_squeeze %dma_wait3A_160 : memref<1x64xi32, #tpu.memory_space<vmem>> -> memref<64xi32, #tpu.memory_space<vmem>>
    %dma_wait3A_162 = arith.constant 0 : i32
    %dma_wait3A_163 = arith.constant 0 : i32
    %dma_wait3A_164 = tpu.memref_slice %arg2[%dma_wait3A_162, %dma_wait3A_163] : memref<100000x128xf32, #tpu.memory_space<hbm>> -> memref<100000x128xf32, #tpu.memory_space<hbm>>
    tpu.wait_indirect_dma semaphore(%arg8 : memref<!tpu.dma_semaphore, #tpu.memory_space<semaphore_mem>>) src(%dma_wait3A_164 : memref<100000x128xf32, #tpu.memory_space<hbm>>) dst(%dma_wait3A_158 : memref<64x128xf32, #tpu.memory_space<vmem>>)
    %add3A_165 = arith.constant 5824 : i32
    %add3A_166 = arith.addi %mul3A_2, %add3A_165 : i32
    %dma_start3A_167 = arith.constant 1 : i32
    %dma_start3A_168 = arith.constant 0 : i32
    %dma_start3A_169 = arith.constant 0 : i32
    %dma_start3A_170 = tpu.memref_slice %arg6[%dma_start3A_167, %dma_start3A_168, %dma_start3A_169] : memref<10x64x128xf32, #tpu.memory_space<vmem>> -> memref<1x64x128xf32, #tpu.memory_space<vmem>>
    %dma_start3A_171 = tpu.memref_squeeze %dma_start3A_170 : memref<1x64x128xf32, #tpu.memory_space<vmem>> -> memref<64x128xf32, #tpu.memory_space<vmem>>
    %dma_start3A_172 = arith.constant 0 : i32
    %dma_start3A_173 = tpu.memref_slice %arg4[%add3A_166, %dma_start3A_172] : memref<204800x128xf32, #tpu.memory_space<hbm>> -> memref<64x128xf32, #tpu.memory_space<hbm>>
    %dma_start3A_174 = arith.constant 0 : i32
    %dma_start3A_175 = tpu.memref_slice %arg4[%add3A_166, %dma_start3A_174] : memref<204800x128xf32, #tpu.memory_space<hbm>> -> memref<64x128xf32, #tpu.memory_space<hbm>>
    %dma_start3A_176 = arith.constant 0 : i32
    %dma_start3A_177 = arith.constant 0 : i32
    %dma_start3A_178 = tpu.memref_slice %arg6[%dma_start3A_167, %dma_start3A_176, %dma_start3A_177] : memref<10x64x128xf32, #tpu.memory_space<vmem>> -> memref<1x64x128xf32, #tpu.memory_space<vmem>>
    %dma_start3A_179 = tpu.memref_squeeze %dma_start3A_178 : memref<1x64x128xf32, #tpu.memory_space<vmem>> -> memref<64x128xf32, #tpu.memory_space<vmem>>
    tpu.enqueue_dma source(%dma_start3A_179 : memref<64x128xf32, #tpu.memory_space<vmem>>) target(%dma_start3A_175 : memref<64x128xf32, #tpu.memory_space<hbm>>) target_semaphore(%arg18 : memref<!tpu.dma_semaphore, #tpu.memory_space<semaphore_mem>>)
    %dma_wait3A_180 = arith.constant 92 : i32
    %dma_wait3A_181 = arith.constant 2 : i32
    %dma_wait3A_182 = arith.constant 0 : i32
    %dma_wait3A_183 = arith.constant 0 : i32
    %dma_wait3A_184 = tpu.memref_slice %arg6[%dma_wait3A_181, %dma_wait3A_182, %dma_wait3A_183] : memref<10x64x128xf32, #tpu.memory_space<vmem>> -> memref<1x64x128xf32, #tpu.memory_space<vmem>>
    %dma_wait3A_185 = tpu.memref_squeeze %dma_wait3A_184 : memref<1x64x128xf32, #tpu.memory_space<vmem>> -> memref<64x128xf32, #tpu.memory_space<vmem>>
    %dma_wait3A_186 = arith.constant 0 : i32
    %dma_wait3A_187 = tpu.memref_slice %arg5[%dma_wait3A_180, %dma_wait3A_186] : memref<100x64xi32, #tpu.memory_space<vmem>> -> memref<1x64xi32, #tpu.memory_space<vmem>>
    %dma_wait3A_188 = tpu.memref_squeeze %dma_wait3A_187 : memref<1x64xi32, #tpu.memory_space<vmem>> -> memref<64xi32, #tpu.memory_space<vmem>>
    %dma_wait3A_189 = arith.constant 0 : i32
    %dma_wait3A_190 = arith.constant 0 : i32
    %dma_wait3A_191 = tpu.memref_slice %arg2[%dma_wait3A_189, %dma_wait3A_190] : memref<100000x128xf32, #tpu.memory_space<hbm>> -> memref<100000x128xf32, #tpu.memory_space<hbm>>
    tpu.wait_indirect_dma semaphore(%arg9 : memref<!tpu.dma_semaphore, #tpu.memory_space<semaphore_mem>>) src(%dma_wait3A_191 : memref<100000x128xf32, #tpu.memory_space<hbm>>) dst(%dma_wait3A_185 : memref<64x128xf32, #tpu.memory_space<vmem>>)
    %add3A_192 = arith.constant 5888 : i32
    %add3A_193 = arith.addi %mul3A_2, %add3A_192 : i32
    %dma_start3A_194 = arith.constant 2 : i32
    %dma_start3A_195 = arith.constant 0 : i32
    %dma_start3A_196 = arith.constant 0 : i32
    %dma_start3A_197 = tpu.memref_slice %arg6[%dma_start3A_194, %dma_start3A_195, %dma_start3A_196] : memref<10x64x128xf32, #tpu.memory_space<vmem>> -> memref<1x64x128xf32, #tpu.memory_space<vmem>>
    %dma_start3A_198 = tpu.memref_squeeze %dma_start3A_197 : memref<1x64x128xf32, #tpu.memory_space<vmem>> -> memref<64x128xf32, #tpu.memory_space<vmem>>
    %dma_start3A_199 = arith.constant 0 : i32
    %dma_start3A_200 = tpu.memref_slice %arg4[%add3A_193, %dma_start3A_199] : memref<204800x128xf32, #tpu.memory_space<hbm>> -> memref<64x128xf32, #tpu.memory_space<hbm>>
    %dma_start3A_201 = arith.constant 0 : i32
    %dma_start3A_202 = tpu.memref_slice %arg4[%add3A_193, %dma_start3A_201] : memref<204800x128xf32, #tpu.memory_space<hbm>> -> memref<64x128xf32, #tpu.memory_space<hbm>>
    %dma_start3A_203 = arith.constant 0 : i32
    %dma_start3A_204 = arith.constant 0 : i32
    %dma_start3A_205 = tpu.memref_slice %arg6[%dma_start3A_194, %dma_start3A_203, %dma_start3A_204] : memref<10x64x128xf32, #tpu.memory_space<vmem>> -> memref<1x64x128xf32, #tpu.memory_space<vmem>>
    %dma_start3A_206 = tpu.memref_squeeze %dma_start3A_205 : memref<1x64x128xf32, #tpu.memory_space<vmem>> -> memref<64x128xf32, #tpu.memory_space<vmem>>
    tpu.enqueue_dma source(%dma_start3A_206 : memref<64x128xf32, #tpu.memory_space<vmem>>) target(%dma_start3A_202 : memref<64x128xf32, #tpu.memory_space<hbm>>) target_semaphore(%arg19 : memref<!tpu.dma_semaphore, #tpu.memory_space<semaphore_mem>>)
    %dma_wait3A_207 = arith.constant 93 : i32
    %dma_wait3A_208 = arith.constant 3 : i32
    %dma_wait3A_209 = arith.constant 0 : i32
    %dma_wait3A_210 = arith.constant 0 : i32
    %dma_wait3A_211 = tpu.memref_slice %arg6[%dma_wait3A_208, %dma_wait3A_209, %dma_wait3A_210] : memref<10x64x128xf32, #tpu.memory_space<vmem>> -> memref<1x64x128xf32, #tpu.memory_space<vmem>>
    %dma_wait3A_212 = tpu.memref_squeeze %dma_wait3A_211 : memref<1x64x128xf32, #tpu.memory_space<vmem>> -> memref<64x128xf32, #tpu.memory_space<vmem>>
    %dma_wait3A_213 = arith.constant 0 : i32
    %dma_wait3A_214 = tpu.memref_slice %arg5[%dma_wait3A_207, %dma_wait3A_213] : memref<100x64xi32, #tpu.memory_space<vmem>> -> memref<1x64xi32, #tpu.memory_space<vmem>>
    %dma_wait3A_215 = tpu.memref_squeeze %dma_wait3A_214 : memref<1x64xi32, #tpu.memory_space<vmem>> -> memref<64xi32, #tpu.memory_space<vmem>>
    %dma_wait3A_216 = arith.constant 0 : i32
    %dma_wait3A_217 = arith.constant 0 : i32
    %dma_wait3A_218 = tpu.memref_slice %arg2[%dma_wait3A_216, %dma_wait3A_217] : memref<100000x128xf32, #tpu.memory_space<hbm>> -> memref<100000x128xf32, #tpu.memory_space<hbm>>
    tpu.wait_indirect_dma semaphore(%arg10 : memref<!tpu.dma_semaphore, #tpu.memory_space<semaphore_mem>>) src(%dma_wait3A_218 : memref<100000x128xf32, #tpu.memory_space<hbm>>) dst(%dma_wait3A_212 : memref<64x128xf32, #tpu.memory_space<vmem>>)
    %add3A_219 = arith.constant 5952 : i32
    %add3A_220 = arith.addi %mul3A_2, %add3A_219 : i32
    %dma_start3A_221 = arith.constant 3 : i32
    %dma_start3A_222 = arith.constant 0 : i32
    %dma_start3A_223 = arith.constant 0 : i32
    %dma_start3A_224 = tpu.memref_slice %arg6[%dma_start3A_221, %dma_start3A_222, %dma_start3A_223] : memref<10x64x128xf32, #tpu.memory_space<vmem>> -> memref<1x64x128xf32, #tpu.memory_space<vmem>>
    %dma_start3A_225 = tpu.memref_squeeze %dma_start3A_224 : memref<1x64x128xf32, #tpu.memory_space<vmem>> -> memref<64x128xf32, #tpu.memory_space<vmem>>
    %dma_start3A_226 = arith.constant 0 : i32
    %dma_start3A_227 = tpu.memref_slice %arg4[%add3A_220, %dma_start3A_226] : memref<204800x128xf32, #tpu.memory_space<hbm>> -> memref<64x128xf32, #tpu.memory_space<hbm>>
    %dma_start3A_228 = arith.constant 0 : i32
    %dma_start3A_229 = tpu.memref_slice %arg4[%add3A_220, %dma_start3A_228] : memref<204800x128xf32, #tpu.memory_space<hbm>> -> memref<64x128xf32, #tpu.memory_space<hbm>>
    %dma_start3A_230 = arith.constant 0 : i32
    %dma_start3A_231 = arith.constant 0 : i32
    %dma_start3A_232 = tpu.memref_slice %arg6[%dma_start3A_221, %dma_start3A_230, %dma_start3A_231] : memref<10x64x128xf32, #tpu.memory_space<vmem>> -> memref<1x64x128xf32, #tpu.memory_space<vmem>>
    %dma_start3A_233 = tpu.memref_squeeze %dma_start3A_232 : memref<1x64x128xf32, #tpu.memory_space<vmem>> -> memref<64x128xf32, #tpu.memory_space<vmem>>
    tpu.enqueue_dma source(%dma_start3A_233 : memref<64x128xf32, #tpu.memory_space<vmem>>) target(%dma_start3A_229 : memref<64x128xf32, #tpu.memory_space<hbm>>) target_semaphore(%arg20 : memref<!tpu.dma_semaphore, #tpu.memory_space<semaphore_mem>>)
    %dma_wait3A_234 = arith.constant 94 : i32
    %dma_wait3A_235 = arith.constant 4 : i32
    %dma_wait3A_236 = arith.constant 0 : i32
    %dma_wait3A_237 = arith.constant 0 : i32
    %dma_wait3A_238 = tpu.memref_slice %arg6[%dma_wait3A_235, %dma_wait3A_236, %dma_wait3A_237] : memref<10x64x128xf32, #tpu.memory_space<vmem>> -> memref<1x64x128xf32, #tpu.memory_space<vmem>>
    %dma_wait3A_239 = tpu.memref_squeeze %dma_wait3A_238 : memref<1x64x128xf32, #tpu.memory_space<vmem>> -> memref<64x128xf32, #tpu.memory_space<vmem>>
    %dma_wait3A_240 = arith.constant 0 : i32
    %dma_wait3A_241 = tpu.memref_slice %arg5[%dma_wait3A_234, %dma_wait3A_240] : memref<100x64xi32, #tpu.memory_space<vmem>> -> memref<1x64xi32, #tpu.memory_space<vmem>>
    %dma_wait3A_242 = tpu.memref_squeeze %dma_wait3A_241 : memref<1x64xi32, #tpu.memory_space<vmem>> -> memref<64xi32, #tpu.memory_space<vmem>>
    %dma_wait3A_243 = arith.constant 0 : i32
    %dma_wait3A_244 = arith.constant 0 : i32
    %dma_wait3A_245 = tpu.memref_slice %arg2[%dma_wait3A_243, %dma_wait3A_244] : memref<100000x128xf32, #tpu.memory_space<hbm>> -> memref<100000x128xf32, #tpu.memory_space<hbm>>
    tpu.wait_indirect_dma semaphore(%arg11 : memref<!tpu.dma_semaphore, #tpu.memory_space<semaphore_mem>>) src(%dma_wait3A_245 : memref<100000x128xf32, #tpu.memory_space<hbm>>) dst(%dma_wait3A_239 : memref<64x128xf32, #tpu.memory_space<vmem>>)
    %add3A_246 = arith.constant 6016 : i32
    %add3A_247 = arith.addi %mul3A_2, %add3A_246 : i32
    %dma_start3A_248 = arith.constant 4 : i32
    %dma_start3A_249 = arith.constant 0 : i32
    %dma_start3A_250 = arith.constant 0 : i32
    %dma_start3A_251 = tpu.memref_slice %arg6[%dma_start3A_248, %dma_start3A_249, %dma_start3A_250] : memref<10x64x128xf32, #tpu.memory_space<vmem>> -> memref<1x64x128xf32, #tpu.memory_space<vmem>>
    %dma_start3A_252 = tpu.memref_squeeze %dma_start3A_251 : memref<1x64x128xf32, #tpu.memory_space<vmem>> -> memref<64x128xf32, #tpu.memory_space<vmem>>
    %dma_start3A_253 = arith.constant 0 : i32
    %dma_start3A_254 = tpu.memref_slice %arg4[%add3A_247, %dma_start3A_253] : memref<204800x128xf32, #tpu.memory_space<hbm>> -> memref<64x128xf32, #tpu.memory_space<hbm>>
    %dma_start3A_255 = arith.constant 0 : i32
    %dma_start3A_256 = tpu.memref_slice %arg4[%add3A_247, %dma_start3A_255] : memref<204800x128xf32, #tpu.memory_space<hbm>> -> memref<64x128xf32, #tpu.memory_space<hbm>>
    %dma_start3A_257 = arith.constant 0 : i32
    %dma_start3A_258 = arith.constant 0 : i32
    %dma_start3A_259 = tpu.memref_slice %arg6[%dma_start3A_248, %dma_start3A_257, %dma_start3A_258] : memref<10x64x128xf32, #tpu.memory_space<vmem>> -> memref<1x64x128xf32, #tpu.memory_space<vmem>>
    %dma_start3A_260 = tpu.memref_squeeze %dma_start3A_259 : memref<1x64x128xf32, #tpu.memory_space<vmem>> -> memref<64x128xf32, #tpu.memory_space<vmem>>
    tpu.enqueue_dma source(%dma_start3A_260 : memref<64x128xf32, #tpu.memory_space<vmem>>) target(%dma_start3A_256 : memref<64x128xf32, #tpu.memory_space<hbm>>) target_semaphore(%arg21 : memref<!tpu.dma_semaphore, #tpu.memory_space<semaphore_mem>>)
    %dma_wait3A_261 = arith.constant 95 : i32
    %dma_wait3A_262 = arith.constant 5 : i32
    %dma_wait3A_263 = arith.constant 0 : i32
    %dma_wait3A_264 = arith.constant 0 : i32
    %dma_wait3A_265 = tpu.memref_slice %arg6[%dma_wait3A_262, %dma_wait3A_263, %dma_wait3A_264] : memref<10x64x128xf32, #tpu.memory_space<vmem>> -> memref<1x64x128xf32, #tpu.memory_space<vmem>>
    %dma_wait3A_266 = tpu.memref_squeeze %dma_wait3A_265 : memref<1x64x128xf32, #tpu.memory_space<vmem>> -> memref<64x128xf32, #tpu.memory_space<vmem>>
    %dma_wait3A_267 = arith.constant 0 : i32
    %dma_wait3A_268 = tpu.memref_slice %arg5[%dma_wait3A_261, %dma_wait3A_267] : memref<100x64xi32, #tpu.memory_space<vmem>> -> memref<1x64xi32, #tpu.memory_space<vmem>>
    %dma_wait3A_269 = tpu.memref_squeeze %dma_wait3A_268 : memref<1x64xi32, #tpu.memory_space<vmem>> -> memref<64xi32, #tpu.memory_space<vmem>>
    %dma_wait3A_270 = arith.constant 0 : i32
    %dma_wait3A_271 = arith.constant 0 : i32
    %dma_wait3A_272 = tpu.memref_slice %arg2[%dma_wait3A_270, %dma_wait3A_271] : memref<100000x128xf32, #tpu.memory_space<hbm>> -> memref<100000x128xf32, #tpu.memory_space<hbm>>
    tpu.wait_indirect_dma semaphore(%arg12 : memref<!tpu.dma_semaphore, #tpu.memory_space<semaphore_mem>>) src(%dma_wait3A_272 : memref<100000x128xf32, #tpu.memory_space<hbm>>) dst(%dma_wait3A_266 : memref<64x128xf32, #tpu.memory_space<vmem>>)
    %add3A_273 = arith.constant 6080 : i32
    %add3A_274 = arith.addi %mul3A_2, %add3A_273 : i32
    %dma_start3A_275 = arith.constant 5 : i32
    %dma_start3A_276 = arith.constant 0 : i32
    %dma_start3A_277 = arith.constant 0 : i32
    %dma_start3A_278 = tpu.memref_slice %arg6[%dma_start3A_275, %dma_start3A_276, %dma_start3A_277] : memref<10x64x128xf32, #tpu.memory_space<vmem>> -> memref<1x64x128xf32, #tpu.memory_space<vmem>>
    %dma_start3A_279 = tpu.memref_squeeze %dma_start3A_278 : memref<1x64x128xf32, #tpu.memory_space<vmem>> -> memref<64x128xf32, #tpu.memory_space<vmem>>
    %dma_start3A_280 = arith.constant 0 : i32
    %dma_start3A_281 = tpu.memref_slice %arg4[%add3A_274, %dma_start3A_280] : memref<204800x128xf32, #tpu.memory_space<hbm>> -> memref<64x128xf32, #tpu.memory_space<hbm>>
    %dma_start3A_282 = arith.constant 0 : i32
    %dma_start3A_283 = tpu.memref_slice %arg4[%add3A_274, %dma_start3A_282] : memref<204800x128xf32, #tpu.memory_space<hbm>> -> memref<64x128xf32, #tpu.memory_space<hbm>>
    %dma_start3A_284 = arith.constant 0 : i32
    %dma_start3A_285 = arith.constant 0 : i32
    %dma_start3A_286 = tpu.memref_slice %arg6[%dma_start3A_275, %dma_start3A_284, %dma_start3A_285] : memref<10x64x128xf32, #tpu.memory_space<vmem>> -> memref<1x64x128xf32, #tpu.memory_space<vmem>>
    %dma_start3A_287 = tpu.memref_squeeze %dma_start3A_286 : memref<1x64x128xf32, #tpu.memory_space<vmem>> -> memref<64x128xf32, #tpu.memory_space<vmem>>
    tpu.enqueue_dma source(%dma_start3A_287 : memref<64x128xf32, #tpu.memory_space<vmem>>) target(%dma_start3A_283 : memref<64x128xf32, #tpu.memory_space<hbm>>) target_semaphore(%arg22 : memref<!tpu.dma_semaphore, #tpu.memory_space<semaphore_mem>>)
    %dma_wait3A_288 = arith.constant 96 : i32
    %dma_wait3A_289 = arith.constant 6 : i32
    %dma_wait3A_290 = arith.constant 0 : i32
    %dma_wait3A_291 = arith.constant 0 : i32
    %dma_wait3A_292 = tpu.memref_slice %arg6[%dma_wait3A_289, %dma_wait3A_290, %dma_wait3A_291] : memref<10x64x128xf32, #tpu.memory_space<vmem>> -> memref<1x64x128xf32, #tpu.memory_space<vmem>>
    %dma_wait3A_293 = tpu.memref_squeeze %dma_wait3A_292 : memref<1x64x128xf32, #tpu.memory_space<vmem>> -> memref<64x128xf32, #tpu.memory_space<vmem>>
    %dma_wait3A_294 = arith.constant 0 : i32
    %dma_wait3A_295 = tpu.memref_slice %arg5[%dma_wait3A_288, %dma_wait3A_294] : memref<100x64xi32, #tpu.memory_space<vmem>> -> memref<1x64xi32, #tpu.memory_space<vmem>>
    %dma_wait3A_296 = tpu.memref_squeeze %dma_wait3A_295 : memref<1x64xi32, #tpu.memory_space<vmem>> -> memref<64xi32, #tpu.memory_space<vmem>>
    %dma_wait3A_297 = arith.constant 0 : i32
    %dma_wait3A_298 = arith.constant 0 : i32
    %dma_wait3A_299 = tpu.memref_slice %arg2[%dma_wait3A_297, %dma_wait3A_298] : memref<100000x128xf32, #tpu.memory_space<hbm>> -> memref<100000x128xf32, #tpu.memory_space<hbm>>
    tpu.wait_indirect_dma semaphore(%arg13 : memref<!tpu.dma_semaphore, #tpu.memory_space<semaphore_mem>>) src(%dma_wait3A_299 : memref<100000x128xf32, #tpu.memory_space<hbm>>) dst(%dma_wait3A_293 : memref<64x128xf32, #tpu.memory_space<vmem>>)
    %add3A_300 = arith.constant 6144 : i32
    %add3A_301 = arith.addi %mul3A_2, %add3A_300 : i32
    %dma_start3A_302 = arith.constant 6 : i32
    %dma_start3A_303 = arith.constant 0 : i32
    %dma_start3A_304 = arith.constant 0 : i32
    %dma_start3A_305 = tpu.memref_slice %arg6[%dma_start3A_302, %dma_start3A_303, %dma_start3A_304] : memref<10x64x128xf32, #tpu.memory_space<vmem>> -> memref<1x64x128xf32, #tpu.memory_space<vmem>>
    %dma_start3A_306 = tpu.memref_squeeze %dma_start3A_305 : memref<1x64x128xf32, #tpu.memory_space<vmem>> -> memref<64x128xf32, #tpu.memory_space<vmem>>
    %dma_start3A_307 = arith.constant 0 : i32
    %dma_start3A_308 = tpu.memref_slice %arg4[%add3A_301, %dma_start3A_307] : memref<204800x128xf32, #tpu.memory_space<hbm>> -> memref<64x128xf32, #tpu.memory_space<hbm>>
    %dma_start3A_309 = arith.constant 0 : i32
    %dma_start3A_310 = tpu.memref_slice %arg4[%add3A_301, %dma_start3A_309] : memref<204800x128xf32, #tpu.memory_space<hbm>> -> memref<64x128xf32, #tpu.memory_space<hbm>>
    %dma_start3A_311 = arith.constant 0 : i32
    %dma_start3A_312 = arith.constant 0 : i32
    %dma_start3A_313 = tpu.memref_slice %arg6[%dma_start3A_302, %dma_start3A_311, %dma_start3A_312] : memref<10x64x128xf32, #tpu.memory_space<vmem>> -> memref<1x64x128xf32, #tpu.memory_space<vmem>>
    %dma_start3A_314 = tpu.memref_squeeze %dma_start3A_313 : memref<1x64x128xf32, #tpu.memory_space<vmem>> -> memref<64x128xf32, #tpu.memory_space<vmem>>
    tpu.enqueue_dma source(%dma_start3A_314 : memref<64x128xf32, #tpu.memory_space<vmem>>) target(%dma_start3A_310 : memref<64x128xf32, #tpu.memory_space<hbm>>) target_semaphore(%arg23 : memref<!tpu.dma_semaphore, #tpu.memory_space<semaphore_mem>>)
    %dma_wait3A_315 = arith.constant 97 : i32
    %dma_wait3A_316 = arith.constant 7 : i32
    %dma_wait3A_317 = arith.constant 0 : i32
    %dma_wait3A_318 = arith.constant 0 : i32
    %dma_wait3A_319 = tpu.memref_slice %arg6[%dma_wait3A_316, %dma_wait3A_317, %dma_wait3A_318] : memref<10x64x128xf32, #tpu.memory_space<vmem>> -> memref<1x64x128xf32, #tpu.memory_space<vmem>>
    %dma_wait3A_320 = tpu.memref_squeeze %dma_wait3A_319 : memref<1x64x128xf32, #tpu.memory_space<vmem>> -> memref<64x128xf32, #tpu.memory_space<vmem>>
    %dma_wait3A_321 = arith.constant 0 : i32
    %dma_wait3A_322 = tpu.memref_slice %arg5[%dma_wait3A_315, %dma_wait3A_321] : memref<100x64xi32, #tpu.memory_space<vmem>> -> memref<1x64xi32, #tpu.memory_space<vmem>>
    %dma_wait3A_323 = tpu.memref_squeeze %dma_wait3A_322 : memref<1x64xi32, #tpu.memory_space<vmem>> -> memref<64xi32, #tpu.memory_space<vmem>>
    %dma_wait3A_324 = arith.constant 0 : i32
    %dma_wait3A_325 = arith.constant 0 : i32
    %dma_wait3A_326 = tpu.memref_slice %arg2[%dma_wait3A_324, %dma_wait3A_325] : memref<100000x128xf32, #tpu.memory_space<hbm>> -> memref<100000x128xf32, #tpu.memory_space<hbm>>
    tpu.wait_indirect_dma semaphore(%arg14 : memref<!tpu.dma_semaphore, #tpu.memory_space<semaphore_mem>>) src(%dma_wait3A_326 : memref<100000x128xf32, #tpu.memory_space<hbm>>) dst(%dma_wait3A_320 : memref<64x128xf32, #tpu.memory_space<vmem>>)
    %add3A_327 = arith.constant 6208 : i32
    %add3A_328 = arith.addi %mul3A_2, %add3A_327 : i32
    %dma_start3A_329 = arith.constant 7 : i32
    %dma_start3A_330 = arith.constant 0 : i32
    %dma_start3A_331 = arith.constant 0 : i32
    %dma_start3A_332 = tpu.memref_slice %arg6[%dma_start3A_329, %dma_start3A_330, %dma_start3A_331] : memref<10x64x128xf32, #tpu.memory_space<vmem>> -> memref<1x64x128xf32, #tpu.memory_space<vmem>>
    %dma_start3A_333 = tpu.memref_squeeze %dma_start3A_332 : memref<1x64x128xf32, #tpu.memory_space<vmem>> -> memref<64x128xf32, #tpu.memory_space<vmem>>
    %dma_start3A_334 = arith.constant 0 : i32
    %dma_start3A_335 = tpu.memref_slice %arg4[%add3A_328, %dma_start3A_334] : memref<204800x128xf32, #tpu.memory_space<hbm>> -> memref<64x128xf32, #tpu.memory_space<hbm>>
    %dma_start3A_336 = arith.constant 0 : i32
    %dma_start3A_337 = tpu.memref_slice %arg4[%add3A_328, %dma_start3A_336] : memref<204800x128xf32, #tpu.memory_space<hbm>> -> memref<64x128xf32, #tpu.memory_space<hbm>>
    %dma_start3A_338 = arith.constant 0 : i32
    %dma_start3A_339 = arith.constant 0 : i32
    %dma_start3A_340 = tpu.memref_slice %arg6[%dma_start3A_329, %dma_start3A_338, %dma_start3A_339] : memref<10x64x128xf32, #tpu.memory_space<vmem>> -> memref<1x64x128xf32, #tpu.memory_space<vmem>>
    %dma_start3A_341 = tpu.memref_squeeze %dma_start3A_340 : memref<1x64x128xf32, #tpu.memory_space<vmem>> -> memref<64x128xf32, #tpu.memory_space<vmem>>
    tpu.enqueue_dma source(%dma_start3A_341 : memref<64x128xf32, #tpu.memory_space<vmem>>) target(%dma_start3A_337 : memref<64x128xf32, #tpu.memory_space<hbm>>) target_semaphore(%arg24 : memref<!tpu.dma_semaphore, #tpu.memory_space<semaphore_mem>>)
    %dma_wait3A_342 = arith.constant 98 : i32
    %dma_wait3A_343 = arith.constant 8 : i32
    %dma_wait3A_344 = arith.constant 0 : i32
    %dma_wait3A_345 = arith.constant 0 : i32
    %dma_wait3A_346 = tpu.memref_slice %arg6[%dma_wait3A_343, %dma_wait3A_344, %dma_wait3A_345] : memref<10x64x128xf32, #tpu.memory_space<vmem>> -> memref<1x64x128xf32, #tpu.memory_space<vmem>>
    %dma_wait3A_347 = tpu.memref_squeeze %dma_wait3A_346 : memref<1x64x128xf32, #tpu.memory_space<vmem>> -> memref<64x128xf32, #tpu.memory_space<vmem>>
    %dma_wait3A_348 = arith.constant 0 : i32
    %dma_wait3A_349 = tpu.memref_slice %arg5[%dma_wait3A_342, %dma_wait3A_348] : memref<100x64xi32, #tpu.memory_space<vmem>> -> memref<1x64xi32, #tpu.memory_space<vmem>>
    %dma_wait3A_350 = tpu.memref_squeeze %dma_wait3A_349 : memref<1x64xi32, #tpu.memory_space<vmem>> -> memref<64xi32, #tpu.memory_space<vmem>>
    %dma_wait3A_351 = arith.constant 0 : i32
    %dma_wait3A_352 = arith.constant 0 : i32
    %dma_wait3A_353 = tpu.memref_slice %arg2[%dma_wait3A_351, %dma_wait3A_352] : memref<100000x128xf32, #tpu.memory_space<hbm>> -> memref<100000x128xf32, #tpu.memory_space<hbm>>
    tpu.wait_indirect_dma semaphore(%arg15 : memref<!tpu.dma_semaphore, #tpu.memory_space<semaphore_mem>>) src(%dma_wait3A_353 : memref<100000x128xf32, #tpu.memory_space<hbm>>) dst(%dma_wait3A_347 : memref<64x128xf32, #tpu.memory_space<vmem>>)
    %add3A_354 = arith.constant 6272 : i32
    %add3A_355 = arith.addi %mul3A_2, %add3A_354 : i32
    %dma_start3A_356 = arith.constant 8 : i32
    %dma_start3A_357 = arith.constant 0 : i32
    %dma_start3A_358 = arith.constant 0 : i32
    %dma_start3A_359 = tpu.memref_slice %arg6[%dma_start3A_356, %dma_start3A_357, %dma_start3A_358] : memref<10x64x128xf32, #tpu.memory_space<vmem>> -> memref<1x64x128xf32, #tpu.memory_space<vmem>>
    %dma_start3A_360 = tpu.memref_squeeze %dma_start3A_359 : memref<1x64x128xf32, #tpu.memory_space<vmem>> -> memref<64x128xf32, #tpu.memory_space<vmem>>
    %dma_start3A_361 = arith.constant 0 : i32
    %dma_start3A_362 = tpu.memref_slice %arg4[%add3A_355, %dma_start3A_361] : memref<204800x128xf32, #tpu.memory_space<hbm>> -> memref<64x128xf32, #tpu.memory_space<hbm>>
    %dma_start3A_363 = arith.constant 0 : i32
    %dma_start3A_364 = tpu.memref_slice %arg4[%add3A_355, %dma_start3A_363] : memref<204800x128xf32, #tpu.memory_space<hbm>> -> memref<64x128xf32, #tpu.memory_space<hbm>>
    %dma_start3A_365 = arith.constant 0 : i32
    %dma_start3A_366 = arith.constant 0 : i32
    %dma_start3A_367 = tpu.memref_slice %arg6[%dma_start3A_356, %dma_start3A_365, %dma_start3A_366] : memref<10x64x128xf32, #tpu.memory_space<vmem>> -> memref<1x64x128xf32, #tpu.memory_space<vmem>>
    %dma_start3A_368 = tpu.memref_squeeze %dma_start3A_367 : memref<1x64x128xf32, #tpu.memory_space<vmem>> -> memref<64x128xf32, #tpu.memory_space<vmem>>
    tpu.enqueue_dma source(%dma_start3A_368 : memref<64x128xf32, #tpu.memory_space<vmem>>) target(%dma_start3A_364 : memref<64x128xf32, #tpu.memory_space<hbm>>) target_semaphore(%arg25 : memref<!tpu.dma_semaphore, #tpu.memory_space<semaphore_mem>>)
    %dma_wait3A_369 = arith.constant 99 : i32
    %dma_wait3A_370 = arith.constant 9 : i32
    %dma_wait3A_371 = arith.constant 0 : i32
    %dma_wait3A_372 = arith.constant 0 : i32
    %dma_wait3A_373 = tpu.memref_slice %arg6[%dma_wait3A_370, %dma_wait3A_371, %dma_wait3A_372] : memref<10x64x128xf32, #tpu.memory_space<vmem>> -> memref<1x64x128xf32, #tpu.memory_space<vmem>>
    %dma_wait3A_374 = tpu.memref_squeeze %dma_wait3A_373 : memref<1x64x128xf32, #tpu.memory_space<vmem>> -> memref<64x128xf32, #tpu.memory_space<vmem>>
    %dma_wait3A_375 = arith.constant 0 : i32
    %dma_wait3A_376 = tpu.memref_slice %arg5[%dma_wait3A_369, %dma_wait3A_375] : memref<100x64xi32, #tpu.memory_space<vmem>> -> memref<1x64xi32, #tpu.memory_space<vmem>>
    %dma_wait3A_377 = tpu.memref_squeeze %dma_wait3A_376 : memref<1x64xi32, #tpu.memory_space<vmem>> -> memref<64xi32, #tpu.memory_space<vmem>>
    %dma_wait3A_378 = arith.constant 0 : i32
    %dma_wait3A_379 = arith.constant 0 : i32
    %dma_wait3A_380 = tpu.memref_slice %arg2[%dma_wait3A_378, %dma_wait3A_379] : memref<100000x128xf32, #tpu.memory_space<hbm>> -> memref<100000x128xf32, #tpu.memory_space<hbm>>
    tpu.wait_indirect_dma semaphore(%arg16 : memref<!tpu.dma_semaphore, #tpu.memory_space<semaphore_mem>>) src(%dma_wait3A_380 : memref<100000x128xf32, #tpu.memory_space<hbm>>) dst(%dma_wait3A_374 : memref<64x128xf32, #tpu.memory_space<vmem>>)
    %add3A_381 = arith.constant 6336 : i32
    %add3A_382 = arith.addi %mul3A_2, %add3A_381 : i32
    %dma_start3A_383 = arith.constant 9 : i32
    %dma_start3A_384 = arith.constant 0 : i32
    %dma_start3A_385 = arith.constant 0 : i32
    %dma_start3A_386 = tpu.memref_slice %arg6[%dma_start3A_383, %dma_start3A_384, %dma_start3A_385] : memref<10x64x128xf32, #tpu.memory_space<vmem>> -> memref<1x64x128xf32, #tpu.memory_space<vmem>>
    %dma_start3A_387 = tpu.memref_squeeze %dma_start3A_386 : memref<1x64x128xf32, #tpu.memory_space<vmem>> -> memref<64x128xf32, #tpu.memory_space<vmem>>
    %dma_start3A_388 = arith.constant 0 : i32
    %dma_start3A_389 = tpu.memref_slice %arg4[%add3A_382, %dma_start3A_388] : memref<204800x128xf32, #tpu.memory_space<hbm>> -> memref<64x128xf32, #tpu.memory_space<hbm>>
    %dma_start3A_390 = arith.constant 0 : i32
    %dma_start3A_391 = tpu.memref_slice %arg4[%add3A_382, %dma_start3A_390] : memref<204800x128xf32, #tpu.memory_space<hbm>> -> memref<64x128xf32, #tpu.memory_space<hbm>>
    %dma_start3A_392 = arith.constant 0 : i32
    %dma_start3A_393 = arith.constant 0 : i32
    %dma_start3A_394 = tpu.memref_slice %arg6[%dma_start3A_383, %dma_start3A_392, %dma_start3A_393] : memref<10x64x128xf32, #tpu.memory_space<vmem>> -> memref<1x64x128xf32, #tpu.memory_space<vmem>>
    %dma_start3A_395 = tpu.memref_squeeze %dma_start3A_394 : memref<1x64x128xf32, #tpu.memory_space<vmem>> -> memref<64x128xf32, #tpu.memory_space<vmem>>
    tpu.enqueue_dma source(%dma_start3A_395 : memref<64x128xf32, #tpu.memory_space<vmem>>) target(%dma_start3A_391 : memref<64x128xf32, #tpu.memory_space<hbm>>) target_semaphore(%arg26 : memref<!tpu.dma_semaphore, #tpu.memory_space<semaphore_mem>>)
    %add3A_396 = arith.constant 5760 : i32
    %add3A_397 = arith.addi %mul3A_2, %add3A_396 : i32
    %dma_wait3A_398 = arith.constant 0 : i32
    %dma_wait3A_399 = arith.constant 0 : i32
    %dma_wait3A_400 = arith.constant 0 : i32
    %dma_wait3A_401 = tpu.memref_slice %arg6[%dma_wait3A_398, %dma_wait3A_399, %dma_wait3A_400] : memref<10x64x128xf32, #tpu.memory_space<vmem>> -> memref<1x64x128xf32, #tpu.memory_space<vmem>>
    %dma_wait3A_402 = tpu.memref_squeeze %dma_wait3A_401 : memref<1x64x128xf32, #tpu.memory_space<vmem>> -> memref<64x128xf32, #tpu.memory_space<vmem>>
    %dma_wait3A_403 = arith.constant 0 : i32
    %dma_wait3A_404 = tpu.memref_slice %arg4[%add3A_397, %dma_wait3A_403] : memref<204800x128xf32, #tpu.memory_space<hbm>> -> memref<64x128xf32, #tpu.memory_space<hbm>>
    %dma_wait3A_405 = arith.constant 0 : i32
    %dma_wait3A_406 = tpu.memref_slice %arg4[%add3A_397, %dma_wait3A_405] : memref<204800x128xf32, #tpu.memory_space<hbm>> -> memref<64x128xf32, #tpu.memory_space<hbm>>
    %dma_wait3A_407 = arith.constant 0 : i32
    %dma_wait3A_408 = arith.constant 0 : i32
    %dma_wait3A_409 = tpu.memref_slice %arg6[%dma_wait3A_398, %dma_wait3A_407, %dma_wait3A_408] : memref<10x64x128xf32, #tpu.memory_space<vmem>> -> memref<1x64x128xf32, #tpu.memory_space<vmem>>
    %dma_wait3A_410 = tpu.memref_squeeze %dma_wait3A_409 : memref<1x64x128xf32, #tpu.memory_space<vmem>> -> memref<64x128xf32, #tpu.memory_space<vmem>>
    tpu.wait_dma2 semaphore(%arg17 : memref<!tpu.dma_semaphore, #tpu.memory_space<semaphore_mem>>) src(%dma_wait3A_410 : memref<64x128xf32, #tpu.memory_space<vmem>>) dst(%dma_wait3A_406 : memref<64x128xf32, #tpu.memory_space<hbm>>)
    %add3A_411 = arith.constant 5824 : i32
    %add3A_412 = arith.addi %mul3A_2, %add3A_411 : i32
    %dma_wait3A_413 = arith.constant 1 : i32
    %dma_wait3A_414 = arith.constant 0 : i32
    %dma_wait3A_415 = arith.constant 0 : i32
    %dma_wait3A_416 = tpu.memref_slice %arg6[%dma_wait3A_413, %dma_wait3A_414, %dma_wait3A_415] : memref<10x64x128xf32, #tpu.memory_space<vmem>> -> memref<1x64x128xf32, #tpu.memory_space<vmem>>
    %dma_wait3A_417 = tpu.memref_squeeze %dma_wait3A_416 : memref<1x64x128xf32, #tpu.memory_space<vmem>> -> memref<64x128xf32, #tpu.memory_space<vmem>>
    %dma_wait3A_418 = arith.constant 0 : i32
    %dma_wait3A_419 = tpu.memref_slice %arg4[%add3A_412, %dma_wait3A_418] : memref<204800x128xf32, #tpu.memory_space<hbm>> -> memref<64x128xf32, #tpu.memory_space<hbm>>
    %dma_wait3A_420 = arith.constant 0 : i32
    %dma_wait3A_421 = tpu.memref_slice %arg4[%add3A_412, %dma_wait3A_420] : memref<204800x128xf32, #tpu.memory_space<hbm>> -> memref<64x128xf32, #tpu.memory_space<hbm>>
    %dma_wait3A_422 = arith.constant 0 : i32
    %dma_wait3A_423 = arith.constant 0 : i32
    %dma_wait3A_424 = tpu.memref_slice %arg6[%dma_wait3A_413, %dma_wait3A_422, %dma_wait3A_423] : memref<10x64x128xf32, #tpu.memory_space<vmem>> -> memref<1x64x128xf32, #tpu.memory_space<vmem>>
    %dma_wait3A_425 = tpu.memref_squeeze %dma_wait3A_424 : memref<1x64x128xf32, #tpu.memory_space<vmem>> -> memref<64x128xf32, #tpu.memory_space<vmem>>
    tpu.wait_dma2 semaphore(%arg18 : memref<!tpu.dma_semaphore, #tpu.memory_space<semaphore_mem>>) src(%dma_wait3A_425 : memref<64x128xf32, #tpu.memory_space<vmem>>) dst(%dma_wait3A_421 : memref<64x128xf32, #tpu.memory_space<hbm>>)
    %add3A_426 = arith.constant 5888 : i32
    %add3A_427 = arith.addi %mul3A_2, %add3A_426 : i32
    %dma_wait3A_428 = arith.constant 2 : i32
    %dma_wait3A_429 = arith.constant 0 : i32
    %dma_wait3A_430 = arith.constant 0 : i32
    %dma_wait3A_431 = tpu.memref_slice %arg6[%dma_wait3A_428, %dma_wait3A_429, %dma_wait3A_430] : memref<10x64x128xf32, #tpu.memory_space<vmem>> -> memref<1x64x128xf32, #tpu.memory_space<vmem>>
    %dma_wait3A_432 = tpu.memref_squeeze %dma_wait3A_431 : memref<1x64x128xf32, #tpu.memory_space<vmem>> -> memref<64x128xf32, #tpu.memory_space<vmem>>
    %dma_wait3A_433 = arith.constant 0 : i32
    %dma_wait3A_434 = tpu.memref_slice %arg4[%add3A_427, %dma_wait3A_433] : memref<204800x128xf32, #tpu.memory_space<hbm>> -> memref<64x128xf32, #tpu.memory_space<hbm>>
    %dma_wait3A_435 = arith.constant 0 : i32
    %dma_wait3A_436 = tpu.memref_slice %arg4[%add3A_427, %dma_wait3A_435] : memref<204800x128xf32, #tpu.memory_space<hbm>> -> memref<64x128xf32, #tpu.memory_space<hbm>>
    %dma_wait3A_437 = arith.constant 0 : i32
    %dma_wait3A_438 = arith.constant 0 : i32
    %dma_wait3A_439 = tpu.memref_slice %arg6[%dma_wait3A_428, %dma_wait3A_437, %dma_wait3A_438] : memref<10x64x128xf32, #tpu.memory_space<vmem>> -> memref<1x64x128xf32, #tpu.memory_space<vmem>>
    %dma_wait3A_440 = tpu.memref_squeeze %dma_wait3A_439 : memref<1x64x128xf32, #tpu.memory_space<vmem>> -> memref<64x128xf32, #tpu.memory_space<vmem>>
    tpu.wait_dma2 semaphore(%arg19 : memref<!tpu.dma_semaphore, #tpu.memory_space<semaphore_mem>>) src(%dma_wait3A_440 : memref<64x128xf32, #tpu.memory_space<vmem>>) dst(%dma_wait3A_436 : memref<64x128xf32, #tpu.memory_space<hbm>>)
    %add3A_441 = arith.constant 5952 : i32
    %add3A_442 = arith.addi %mul3A_2, %add3A_441 : i32
    %dma_wait3A_443 = arith.constant 3 : i32
    %dma_wait3A_444 = arith.constant 0 : i32
    %dma_wait3A_445 = arith.constant 0 : i32
    %dma_wait3A_446 = tpu.memref_slice %arg6[%dma_wait3A_443, %dma_wait3A_444, %dma_wait3A_445] : memref<10x64x128xf32, #tpu.memory_space<vmem>> -> memref<1x64x128xf32, #tpu.memory_space<vmem>>
    %dma_wait3A_447 = tpu.memref_squeeze %dma_wait3A_446 : memref<1x64x128xf32, #tpu.memory_space<vmem>> -> memref<64x128xf32, #tpu.memory_space<vmem>>
    %dma_wait3A_448 = arith.constant 0 : i32
    %dma_wait3A_449 = tpu.memref_slice %arg4[%add3A_442, %dma_wait3A_448] : memref<204800x128xf32, #tpu.memory_space<hbm>> -> memref<64x128xf32, #tpu.memory_space<hbm>>
    %dma_wait3A_450 = arith.constant 0 : i32
    %dma_wait3A_451 = tpu.memref_slice %arg4[%add3A_442, %dma_wait3A_450] : memref<204800x128xf32, #tpu.memory_space<hbm>> -> memref<64x128xf32, #tpu.memory_space<hbm>>
    %dma_wait3A_452 = arith.constant 0 : i32
    %dma_wait3A_453 = arith.constant 0 : i32
    %dma_wait3A_454 = tpu.memref_slice %arg6[%dma_wait3A_443, %dma_wait3A_452, %dma_wait3A_453] : memref<10x64x128xf32, #tpu.memory_space<vmem>> -> memref<1x64x128xf32, #tpu.memory_space<vmem>>
    %dma_wait3A_455 = tpu.memref_squeeze %dma_wait3A_454 : memref<1x64x128xf32, #tpu.memory_space<vmem>> -> memref<64x128xf32, #tpu.memory_space<vmem>>
    tpu.wait_dma2 semaphore(%arg20 : memref<!tpu.dma_semaphore, #tpu.memory_space<semaphore_mem>>) src(%dma_wait3A_455 : memref<64x128xf32, #tpu.memory_space<vmem>>) dst(%dma_wait3A_451 : memref<64x128xf32, #tpu.memory_space<hbm>>)
    %add3A_456 = arith.constant 6016 : i32
    %add3A_457 = arith.addi %mul3A_2, %add3A_456 : i32
    %dma_wait3A_458 = arith.constant 4 : i32
    %dma_wait3A_459 = arith.constant 0 : i32
    %dma_wait3A_460 = arith.constant 0 : i32
    %dma_wait3A_461 = tpu.memref_slice %arg6[%dma_wait3A_458, %dma_wait3A_459, %dma_wait3A_460] : memref<10x64x128xf32, #tpu.memory_space<vmem>> -> memref<1x64x128xf32, #tpu.memory_space<vmem>>
    %dma_wait3A_462 = tpu.memref_squeeze %dma_wait3A_461 : memref<1x64x128xf32, #tpu.memory_space<vmem>> -> memref<64x128xf32, #tpu.memory_space<vmem>>
    %dma_wait3A_463 = arith.constant 0 : i32
    %dma_wait3A_464 = tpu.memref_slice %arg4[%add3A_457, %dma_wait3A_463] : memref<204800x128xf32, #tpu.memory_space<hbm>> -> memref<64x128xf32, #tpu.memory_space<hbm>>
    %dma_wait3A_465 = arith.constant 0 : i32
    %dma_wait3A_466 = tpu.memref_slice %arg4[%add3A_457, %dma_wait3A_465] : memref<204800x128xf32, #tpu.memory_space<hbm>> -> memref<64x128xf32, #tpu.memory_space<hbm>>
    %dma_wait3A_467 = arith.constant 0 : i32
    %dma_wait3A_468 = arith.constant 0 : i32
    %dma_wait3A_469 = tpu.memref_slice %arg6[%dma_wait3A_458, %dma_wait3A_467, %dma_wait3A_468] : memref<10x64x128xf32, #tpu.memory_space<vmem>> -> memref<1x64x128xf32, #tpu.memory_space<vmem>>
    %dma_wait3A_470 = tpu.memref_squeeze %dma_wait3A_469 : memref<1x64x128xf32, #tpu.memory_space<vmem>> -> memref<64x128xf32, #tpu.memory_space<vmem>>
    tpu.wait_dma2 semaphore(%arg21 : memref<!tpu.dma_semaphore, #tpu.memory_space<semaphore_mem>>) src(%dma_wait3A_470 : memref<64x128xf32, #tpu.memory_space<vmem>>) dst(%dma_wait3A_466 : memref<64x128xf32, #tpu.memory_space<hbm>>)
    %add3A_471 = arith.constant 6080 : i32
    %add3A_472 = arith.addi %mul3A_2, %add3A_471 : i32
    %dma_wait3A_473 = arith.constant 5 : i32
    %dma_wait3A_474 = arith.constant 0 : i32
    %dma_wait3A_475 = arith.constant 0 : i32
    %dma_wait3A_476 = tpu.memref_slice %arg6[%dma_wait3A_473, %dma_wait3A_474, %dma_wait3A_475] : memref<10x64x128xf32, #tpu.memory_space<vmem>> -> memref<1x64x128xf32, #tpu.memory_space<vmem>>
    %dma_wait3A_477 = tpu.memref_squeeze %dma_wait3A_476 : memref<1x64x128xf32, #tpu.memory_space<vmem>> -> memref<64x128xf32, #tpu.memory_space<vmem>>
    %dma_wait3A_478 = arith.constant 0 : i32
    %dma_wait3A_479 = tpu.memref_slice %arg4[%add3A_472, %dma_wait3A_478] : memref<204800x128xf32, #tpu.memory_space<hbm>> -> memref<64x128xf32, #tpu.memory_space<hbm>>
    %dma_wait3A_480 = arith.constant 0 : i32
    %dma_wait3A_481 = tpu.memref_slice %arg4[%add3A_472, %dma_wait3A_480] : memref<204800x128xf32, #tpu.memory_space<hbm>> -> memref<64x128xf32, #tpu.memory_space<hbm>>
    %dma_wait3A_482 = arith.constant 0 : i32
    %dma_wait3A_483 = arith.constant 0 : i32
    %dma_wait3A_484 = tpu.memref_slice %arg6[%dma_wait3A_473, %dma_wait3A_482, %dma_wait3A_483] : memref<10x64x128xf32, #tpu.memory_space<vmem>> -> memref<1x64x128xf32, #tpu.memory_space<vmem>>
    %dma_wait3A_485 = tpu.memref_squeeze %dma_wait3A_484 : memref<1x64x128xf32, #tpu.memory_space<vmem>> -> memref<64x128xf32, #tpu.memory_space<vmem>>
    tpu.wait_dma2 semaphore(%arg22 : memref<!tpu.dma_semaphore, #tpu.memory_space<semaphore_mem>>) src(%dma_wait3A_485 : memref<64x128xf32, #tpu.memory_space<vmem>>) dst(%dma_wait3A_481 : memref<64x128xf32, #tpu.memory_space<hbm>>)
    %add3A_486 = arith.constant 6144 : i32
    %add3A_487 = arith.addi %mul3A_2, %add3A_486 : i32
    %dma_wait3A_488 = arith.constant 6 : i32
    %dma_wait3A_489 = arith.constant 0 : i32
    %dma_wait3A_490 = arith.constant 0 : i32
    %dma_wait3A_491 = tpu.memref_slice %arg6[%dma_wait3A_488, %dma_wait3A_489, %dma_wait3A_490] : memref<10x64x128xf32, #tpu.memory_space<vmem>> -> memref<1x64x128xf32, #tpu.memory_space<vmem>>
    %dma_wait3A_492 = tpu.memref_squeeze %dma_wait3A_491 : memref<1x64x128xf32, #tpu.memory_space<vmem>> -> memref<64x128xf32, #tpu.memory_space<vmem>>
    %dma_wait3A_493 = arith.constant 0 : i32
    %dma_wait3A_494 = tpu.memref_slice %arg4[%add3A_487, %dma_wait3A_493] : memref<204800x128xf32, #tpu.memory_space<hbm>> -> memref<64x128xf32, #tpu.memory_space<hbm>>
    %dma_wait3A_495 = arith.constant 0 : i32
    %dma_wait3A_496 = tpu.memref_slice %arg4[%add3A_487, %dma_wait3A_495] : memref<204800x128xf32, #tpu.memory_space<hbm>> -> memref<64x128xf32, #tpu.memory_space<hbm>>
    %dma_wait3A_497 = arith.constant 0 : i32
    %dma_wait3A_498 = arith.constant 0 : i32
    %dma_wait3A_499 = tpu.memref_slice %arg6[%dma_wait3A_488, %dma_wait3A_497, %dma_wait3A_498] : memref<10x64x128xf32, #tpu.memory_space<vmem>> -> memref<1x64x128xf32, #tpu.memory_space<vmem>>
    %dma_wait3A_500 = tpu.memref_squeeze %dma_wait3A_499 : memref<1x64x128xf32, #tpu.memory_space<vmem>> -> memref<64x128xf32, #tpu.memory_space<vmem>>
    tpu.wait_dma2 semaphore(%arg23 : memref<!tpu.dma_semaphore, #tpu.memory_space<semaphore_mem>>) src(%dma_wait3A_500 : memref<64x128xf32, #tpu.memory_space<vmem>>) dst(%dma_wait3A_496 : memref<64x128xf32, #tpu.memory_space<hbm>>)
    %add3A_501 = arith.constant 6208 : i32
    %add3A_502 = arith.addi %mul3A_2, %add3A_501 : i32
    %dma_wait3A_503 = arith.constant 7 : i32
    %dma_wait3A_504 = arith.constant 0 : i32
    %dma_wait3A_505 = arith.constant 0 : i32
    %dma_wait3A_506 = tpu.memref_slice %arg6[%dma_wait3A_503, %dma_wait3A_504, %dma_wait3A_505] : memref<10x64x128xf32, #tpu.memory_space<vmem>> -> memref<1x64x128xf32, #tpu.memory_space<vmem>>
    %dma_wait3A_507 = tpu.memref_squeeze %dma_wait3A_506 : memref<1x64x128xf32, #tpu.memory_space<vmem>> -> memref<64x128xf32, #tpu.memory_space<vmem>>
    %dma_wait3A_508 = arith.constant 0 : i32
    %dma_wait3A_509 = tpu.memref_slice %arg4[%add3A_502, %dma_wait3A_508] : memref<204800x128xf32, #tpu.memory_space<hbm>> -> memref<64x128xf32, #tpu.memory_space<hbm>>
    %dma_wait3A_510 = arith.constant 0 : i32
    %dma_wait3A_511 = tpu.memref_slice %arg4[%add3A_502, %dma_wait3A_510] : memref<204800x128xf32, #tpu.memory_space<hbm>> -> memref<64x128xf32, #tpu.memory_space<hbm>>
    %dma_wait3A_512 = arith.constant 0 : i32
    %dma_wait3A_513 = arith.constant 0 : i32
    %dma_wait3A_514 = tpu.memref_slice %arg6[%dma_wait3A_503, %dma_wait3A_512, %dma_wait3A_513] : memref<10x64x128xf32, #tpu.memory_space<vmem>> -> memref<1x64x128xf32, #tpu.memory_space<vmem>>
    %dma_wait3A_515 = tpu.memref_squeeze %dma_wait3A_514 : memref<1x64x128xf32, #tpu.memory_space<vmem>> -> memref<64x128xf32, #tpu.memory_space<vmem>>
    tpu.wait_dma2 semaphore(%arg24 : memref<!tpu.dma_semaphore, #tpu.memory_space<semaphore_mem>>) src(%dma_wait3A_515 : memref<64x128xf32, #tpu.memory_space<vmem>>) dst(%dma_wait3A_511 : memref<64x128xf32, #tpu.memory_space<hbm>>)
    %add3A_516 = arith.constant 6272 : i32
    %add3A_517 = arith.addi %mul3A_2, %add3A_516 : i32
    %dma_wait3A_518 = arith.constant 8 : i32
    %dma_wait3A_519 = arith.constant 0 : i32
    %dma_wait3A_520 = arith.constant 0 : i32
    %dma_wait3A_521 = tpu.memref_slice %arg6[%dma_wait3A_518, %dma_wait3A_519, %dma_wait3A_520] : memref<10x64x128xf32, #tpu.memory_space<vmem>> -> memref<1x64x128xf32, #tpu.memory_space<vmem>>
    %dma_wait3A_522 = tpu.memref_squeeze %dma_wait3A_521 : memref<1x64x128xf32, #tpu.memory_space<vmem>> -> memref<64x128xf32, #tpu.memory_space<vmem>>
    %dma_wait3A_523 = arith.constant 0 : i32
    %dma_wait3A_524 = tpu.memref_slice %arg4[%add3A_517, %dma_wait3A_523] : memref<204800x128xf32, #tpu.memory_space<hbm>> -> memref<64x128xf32, #tpu.memory_space<hbm>>
    %dma_wait3A_525 = arith.constant 0 : i32
    %dma_wait3A_526 = tpu.memref_slice %arg4[%add3A_517, %dma_wait3A_525] : memref<204800x128xf32, #tpu.memory_space<hbm>> -> memref<64x128xf32, #tpu.memory_space<hbm>>
    %dma_wait3A_527 = arith.constant 0 : i32
    %dma_wait3A_528 = arith.constant 0 : i32
    %dma_wait3A_529 = tpu.memref_slice %arg6[%dma_wait3A_518, %dma_wait3A_527, %dma_wait3A_528] : memref<10x64x128xf32, #tpu.memory_space<vmem>> -> memref<1x64x128xf32, #tpu.memory_space<vmem>>
    %dma_wait3A_530 = tpu.memref_squeeze %dma_wait3A_529 : memref<1x64x128xf32, #tpu.memory_space<vmem>> -> memref<64x128xf32, #tpu.memory_space<vmem>>
    tpu.wait_dma2 semaphore(%arg25 : memref<!tpu.dma_semaphore, #tpu.memory_space<semaphore_mem>>) src(%dma_wait3A_530 : memref<64x128xf32, #tpu.memory_space<vmem>>) dst(%dma_wait3A_526 : memref<64x128xf32, #tpu.memory_space<hbm>>)
    %add3A_531 = arith.constant 6336 : i32
    %add3A_532 = arith.addi %mul3A_2, %add3A_531 : i32
    %dma_wait3A_533 = arith.constant 9 : i32
    %dma_wait3A_534 = arith.constant 0 : i32
    %dma_wait3A_535 = arith.constant 0 : i32
    %dma_wait3A_536 = tpu.memref_slice %arg6[%dma_wait3A_533, %dma_wait3A_534, %dma_wait3A_535] : memref<10x64x128xf32, #tpu.memory_space<vmem>> -> memref<1x64x128xf32, #tpu.memory_space<vmem>>
    %dma_wait3A_537 = tpu.memref_squeeze %dma_wait3A_536 : memref<1x64x128xf32, #tpu.memory_space<vmem>> -> memref<64x128xf32, #tpu.memory_space<vmem>>
    %dma_wait3A_538 = arith.constant 0 : i32
    %dma_wait3A_539 = tpu.memref_slice %arg4[%add3A_532, %dma_wait3A_538] : memref<204800x128xf32, #tpu.memory_space<hbm>> -> memref<64x128xf32, #tpu.memory_space<hbm>>
    %dma_wait3A_540 = arith.constant 0 : i32
    %dma_wait3A_541 = tpu.memref_slice %arg4[%add3A_532, %dma_wait3A_540] : memref<204800x128xf32, #tpu.memory_space<hbm>> -> memref<64x128xf32, #tpu.memory_space<hbm>>
    %dma_wait3A_542 = arith.constant 0 : i32
    %dma_wait3A_543 = arith.constant 0 : i32
    %dma_wait3A_544 = tpu.memref_slice %arg6[%dma_wait3A_533, %dma_wait3A_542, %dma_wait3A_543] : memref<10x64x128xf32, #tpu.memory_space<vmem>> -> memref<1x64x128xf32, #tpu.memory_space<vmem>>
    %dma_wait3A_545 = tpu.memref_squeeze %dma_wait3A_544 : memref<1x64x128xf32, #tpu.memory_space<vmem>> -> memref<64x128xf32, #tpu.memory_space<vmem>>
    tpu.wait_dma2 semaphore(%arg26 : memref<!tpu.dma_semaphore, #tpu.memory_space<semaphore_mem>>) src(%dma_wait3A_545 : memref<64x128xf32, #tpu.memory_space<vmem>>) dst(%dma_wait3A_541 : memref<64x128xf32, #tpu.memory_space<hbm>>)
    return
  }
}

</mosaic_0001>

<sc_bundles>
// kernel: kernel.3.cloned.1.call-start
scs
__scs_entry_jumppad:
0x0: {  	(pc) =	sbr.rel $0x88, $3  }
0x1: {  	(tag) =	ssettag $0x0;
	lr =	simm.s32 $0x1  }
0x2: {  	[smem:$0x3F9F] =	sst lr;
	_ =	strace $0xD0000000  }
0x3: {  	_ = 	snop  }
0x4: {  	_ = 	snop  }
0x5: {  	_ = 	snop  }
0x6: {  	_ = 	snop  }
0x7: {  	_ = 	snop  }
__scs_overlays_trampoline_lowered:
0x8: {  	[smem:$0x3FAE] =	sst s0  }
0x9: {  	[smem:$0x3FAF] =	sst s1  }
0xa: {  	[smem:$0x3FB0] =	sst s2  }
0xb: {  	[smem:$0x3FB1] =	sst s3  }
0xc: {  	[smem:$0x3FB2] =	sst s4  }
0xd: {  	[smem:$0x3FB3] =	sst s5  }
0xe: {  	[smem:$0x3FB4] =	sst s6  }
0xf: {  	[smem:$0x3FB5] =	sst s7  }
0x10: {  	[smem:$0x3FB6] =	sst s8  }
0x11: {  	[smem:$0x3FB7] =	sst s9;
	s0 =	simm.s32 @!p0 $0x0  }
0x12: {  	s1 =	sld [smem:$0x3F9D];
	s0 =	simm.s32 @p0 $0x1  }
0x13: {  	[smem:$0x3FB8] =	sst s0;
	s0 =	simm.s32 @!p1 $0x0  }
0x14: {  	s2 =	sld [smem:$0x3F9C];
	s0 =	simm.s32 @p1 $0x1  }
0x15: {  	[smem:$0x3FB9] =	sst s0;
	s0 =	simm.s32 @!p2 $0x0  }
0x16: {  	s3 =	sld [smem:$0x3FDB];
	s0 =	simm.s32 @p2 $0x1  }
0x17: {  	s4 =	simm.s32 $0x1BF5;
	[smem:$0x3FBB] =	sst s0  }
0x18: {  	s0 =	sld [smem:$0x3F9E];
	_ =	swait.ge [sflag:s4], $0x0  }
0x19: {  	s7 =	sld [smem:$0x3F9F]  }
0x1a: {  	s8 =	sadd.s32 $0xFFFFE003, lr  }
0x1b: {  	s9 =	sadd.s32 $0xFFFFFEF7, lr;
	s5 =	simm.s32 $0xFFFFFFFF;
	p2 =	slt.u32 s8, $0xFFFFF086  }
0x1c: {  	p1 =	slt.u32 s9, $0xF7A;
	s5 =	simm.s32 @!p2 $0x0  }
0x1d: {  	s5 =	simm.s32 @p1 $0x1;
	p0 =	seq.s32 s7, s2  }
0x1e: {  	s7 =	smul.u32 @!p0 $0xF7A, s2;
	p2 =	seq.s32 @!p0 s5, $0x0  }
0x1f: {  	s9 =	smul.u32 $0xF7A, s1;
	s8 =	simm.s32 @!p0 $0x1BF5;
	p2 =	por !p2, p0  }
0x20: {  	[sflag:s8] =	ssyncset.s32 @!p0 $0xFFFFF086;
	s6 =	sadd.s32 @!p0 s3, s7;
	s7 =	simm.s32 @!p0 $0x108  }
0x21: {  	s3 =	sadd.s32 s3, s9;
	s6 =	sadd.s32 @!p0 $0x88, s6;
	s7 =	simm.s32 @p2 $0x1082  }
0x22: {  	[simem:s7], [sflag:s8] =	dma.local @!p0 [hbm:s6], $0xF7A  }
0x23: {  	s9 =	sor.u32 $0xD0000000, s2;
	s6 =	simm.s32 $0x108;
	_ =	swait.ge @!p0 [sflag:s8], $0x0  }
0x24: {  	s3 =	sadd.s32 $0x88, s3;
	s6 =	simm.s32 @!p1 $0x1082;
	[sflag:s4] =	ssyncset.s32 $0xFFFFF086  }
0x25: {  	[simem:s6], [sflag:s4] =	dma.local [hbm:s3], $0xF7A  }
0x26: {  	[smem:$0x3F9F] =	sst s1;
	(tag) =	ssettag s2;
	_ =	strace s9  }
0x27: {  	s1 =	sld [smem:$0x3FAF]  }
0x28: {  	s2 =	sld [smem:$0x3FB0]  }
0x29: {  	s4 =	sld [smem:$0x3FB2]  }
0x2a: {  	p0 =	seq.s32 s5, $0x0;
	s5 =	sld [smem:$0x3FB3]  }
0x2b: {  	s6 =	sld [smem:$0x3FB4]  }
0x2c: {  	s7 =	sld [smem:$0x3FB5]  }
0x2d: {  	s3 =	simm.s32 $0x108;
	s8 =	sld [smem:$0x3FB6]  }
0x2e: {  	s3 =	simm.s32 @!p0 $0x1082;
	s9 =	sld [smem:$0x3FB7]  }
0x2f: {  	lr =	sadd.s32 s0, s3;
	s0 =	sld [smem:$0x3FAE]  }
0x30: {  	s3 =	sld [smem:$0x3FB1]  }
0x31: {  	[smem:$0x3FBA] =	sst s10  }
0x32: {  	s10 =	sld [smem:$0x3FB8];
	_ =	sdelay $0x3  }
0x33: {  	p0 =	seq.s32 s10, $0x1;
	s10 =	sld [smem:$0x3FBA];
	_ =	sdelay $0x3  }
0x34: {  	[smem:$0x3FBA] =	sst s10  }
0x35: {  	s10 =	sld [smem:$0x3FB9];
	_ =	sdelay $0x3  }
0x36: {  	p1 =	seq.s32 s10, $0x1;
	s10 =	sld [smem:$0x3FBA];
	_ =	sdelay $0x3  }
0x37: {  	[smem:$0x3FBA] =	sst s10  }
0x38: {  	s10 =	sld [smem:$0x3FBB]  }
0x39: {  	_ = 	snop;
	(pc) =	sbr.ind lr, $3  }
0x3a: {  	_ = 	snop  }
0x3b: {  	_ = 	snop  }
0x3c: {  	p2 =	seq.s32 s10, $0x1;
	s10 =	sld [smem:$0x3FBA]  }
0x3d: {  	_ =	shalt  }
0x3e: {  	_ =	shalt  }
0x3f: {  	_ =	shalt  }
0x40: {  	_ =	shalt  }
0x41: {  	_ =	shalt  }
0x42: {  	_ =	shalt  }
0x43: {  	_ =	shalt  }
0x44: {  	_ =	shalt  }
0x45: {  	_ =	shalt  }
0x46: {  	_ =	shalt  }
0x47: {  	_ =	shalt  }
0x48: {  	_ =	shalt  }
0x49: {  	_ =	shalt  }
0x4a: {  	_ =	shalt  }
0x4b: {  	_ =	shalt  }
0x4c: {  	_ =	shalt  }
0x4d: {  	_ =	shalt  }
0x4e: {  	_ =	shalt  }
0x4f: {  	_ =	shalt  }
0x50: {  	_ =	shalt  }
0x51: {  	_ =	shalt  }
0x52: {  	_ =	shalt  }
0x53: {  	_ =	shalt  }
0x54: {  	_ =	shalt  }
0x55: {  	_ =	shalt  }
0x56: {  	_ =	shalt  }
0x57: {  	_ =	shalt  }
0x58: {  	_ =	shalt  }
0x59: {  	_ =	shalt  }
0x5a: {  	_ =	shalt  }
0x5b: {  	_ =	shalt  }
0x5c: {  	_ =	shalt  }
0x5d: {  	_ =	shalt  }
0x5e: {  	_ =	shalt  }
0x5f: {  	_ =	shalt  }
0x60: {  	_ =	shalt  }
0x61: {  	_ =	shalt  }
0x62: {  	_ =	shalt  }
0x63: {  	_ =	shalt  }
0x64: {  	_ =	shalt  }
0x65: {  	_ =	shalt  }
0x66: {  	_ =	shalt  }
0x67: {  	_ =	shalt  }
0x68: {  	_ =	shalt  }
0x69: {  	_ =	shalt  }
0x6a: {  	_ =	shalt  }
0x6b: {  	_ =	shalt  }
0x6c: {  	_ =	shalt  }
0x6d: {  	_ =	shalt  }
0x6e: {  	_ =	shalt  }
0x6f: {  	_ =	shalt  }
0x70: {  	_ =	shalt  }
0x71: {  	_ =	shalt  }
0x72: {  	_ =	shalt  }
0x73: {  	_ =	shalt  }
0x74: {  	_ =	shalt  }
0x75: {  	_ =	shalt  }
0x76: {  	_ =	shalt  }
0x77: {  	_ =	shalt  }
0x78: {  	_ =	shalt  }
0x79: {  	_ =	shalt  }
0x7a: {  	_ =	shalt  }
0x7b: {  	_ =	shalt  }
0x7c: {  	_ =	shalt  }
0x7d: {  	_ =	shalt  }
0x7e: {  	_ =	shalt  }
0x7f: {  	_ =	shalt  }
0x80: {  	_ =	shalt  }
0x81: {  	_ =	shalt  }
0x82: {  	_ =	shalt  }
0x83: {  	_ =	shalt  }
0x84: {  	_ =	shalt  }
0x85: {  	_ =	shalt  }
0x86: {  	_ =	shalt  }
0x87: {  	_ =	shalt  }
.Lfunc_end0:
.L_simem_size_0:
called_computation_lowered:
.L_overlay_start_0:
0x88: {  	s2 =	sld [smem:$0x3FD9]  }
0x89: {  	s3 =	sld [smem:$0x3FFE];
	_ =	sdelay $0x1  }
0x8a: {  	s1 =	srdreg.scid  }
0x8b: {  	s0 =	sand.u32 $0x1, s1  }
0x8c: {  	s17 =	sshll.u32 s0, $0xA;
	s2 =	sadd.s32 s3, s2  }
0x8d: {  	s2 =	sadd.s32 s2, s17  }
0x8e: {  	[smem:$0x3FC6] =	sst s2  }
0x8f: {  	_ = 	snop  }
0x90: {  	s2 =	sld [smem:$0x3FC8]  }
0x91: {  	s18 =	sld [smem:$0x3FD0];
	(tm) =	ssettm $0x1  }
0x92: {  	s4 =	sld [smem:$0x3FFB];
	_ =	sdelay $0x3  }
0x93: {  	_ =	strace s4  }
0x94: {  	s4 =	sld [smem:$0x3FFC];
	_ =	sdelay $0x3  }
0x95: {  	_ =	strace s4  }
0x96: {  	s4 =	sld [smem:$0x3FFD];
	_ =	sdelay $0x3  }
0x97: {  	_ =	strace s4  }
0x98: {  	_ =	strace $0x8FFFFFFF  }
0x99: {  	s19 =	sld [smem:$0x3FDB];
	_ =	sdelay $0x1  }
0x9a: {  	s5 =	simm.s32 $_scs_section_size  }
0x9b: {  	s6 =	simm.s32 $_size__tile_overlayer_lowered;
	s7 =	simm.s32 $_tile_overlayer_lowered  }
0x9c: {  	s22 =	simm.s32 $0x1BFF;
	s21 =	sshll.u32 s7, $0x1;
	s4 =	sadd.s32 s5, s19  }
0x9d: {  	s8 =	simm.s32 $0x0;
	s20 =	sshll.u32 s6, $0x1;
	s6 =	sadd.s32 s21, s4  }
0x9e: {  	[timem:s8], [sflag:s22] =	dma.local [hbm:s6], s20  }
0x9f: {  	_ =	swait.ge [sflag:s22], s20  }
0xa0: {  	s5 =	ssub.s32 $0x0, s20;
	[sflag:s22] =	ssyncset.done $0x0  }
0xa1: {  	[sflag:s22] =	ssyncadd.s32 s5;
	_ =	sdelay $0x1  }
0xa2: {  	s23 =	simm.s32 $0x1B8B  }
0xa3: {  	_ =	swait.ge [sflag:s23], $0x1  }
0xa4: {  	[sflag:s23] =	ssyncset.done $0x0  }
0xa5: {  	s25 =	simm.s32 $0x1B8E;
	s24 =	sld [smem:$0x3FFE];
	[sflag:s23] =	ssyncadd.s32 $0xFFFFFFFF  }
0xa6: {  	s26 =	simm.s32 $execute0_lowered;
	[smem:$0x3FD2] =	sst s25  }
0xa7: {  	s6 =	sshll.u32 s26, $0x1;
	_ =	strace $0x80000046;
	[dreg:$0x1] =	wrdreg $0xFFFFFFFF  }
0xa8: {  	s28 =	simm.s32 $_size_execute0_lowered;
	s4 =	sadd.s32 s4, s6;
	[dreg:$0x0] =	wrdreg $0x0  }
0xa9: {  	s6 =	sshll.u32 s28, $0x1;
	[dreg:$0x2] =	wrdreg s4  }
0xaa: {  	[dreg:$0x3] =	wrdreg s6  }
0xab: {  	[dreg:$0x4] =	wrdreg $0xC0  }
0xac: {  	_ =	task [dreg:s8], $0x5FFFF  }
0xad: {  	[dreg:$0x1] =	wrdreg $0xFFFFFFFF  }
0xae: {  	[dreg:$0x0] =	wrdreg $0x60  }
0xaf: {  	[dreg:$0x2] =	wrdreg s2  }
0xb0: {  	[dreg:$0x3] =	wrdreg s24  }
0xb1: {  	[dreg:$0x4] =	wrdreg s18  }
0xb2: {  	[dreg:$0x5] =	wrdreg $0x9  }
0xb3: {  	_ =	task.clear_ibuf [dreg:s8], $0x6FFFF;
	_ =	strace $0x90000046  }
0xb4: {  	s29 =	simm.s32 $0x9;
	_ =	strace $0x80000048  }
0xb5: {  	_ =	swait.ge [sflag:s29], $0x1  }
0xb6: {  	[sflag:s29] =	ssyncadd.s32 $0xFFFFFFFF  }
0xb7: {  	_ =	strace $0x90000048  }
0xb8: {  	_ =	sfence  }
0xb9: {  	s30 =	sld [smem:$0x0];
	_ =	sdelay $0x2  }
0xba: {  	s31 =	sshll.u32 s1, $0xD;
	s1 =	sshrl.u32 s1, $0x2  }
0xbb: {  	s3 =	sand.u32 $0x4000, s31;
	s1 =	sadd.s32 s1, s30  }
0xbc: {  	s0 =	sor.u32 s3, s0;
	s1 =	sshll.u32 s1, $0x11  }
0xbd: {  	s0 =	sor.u32 s1, s0  }
0xbe: {  	s0 =	sadd.s32 $0x8F2B, s0  }
0xbf: {  	[sflag:s0] =	ssyncadd.remote.s32 $0x1  }
0xc0: {  	_ =	sfence.sel $0xFFFF  }
0xc1: {  	[dreg:$0x0] =	wrdreg $0xFFFFFFFF;
	(pc) =	sbr.abs _section_cstart, $3  }
0xc2: {  	[dreg:$0x1] =	wrdreg $0xFFFFFFFF  }
0xc3: {  	_ =	task.clear_ibuf [dreg:s8], $0x2FFFF;
	_ =	strace $0x9FFFFFFF  }
0xc4: {  	(tm) =	ssettm $0x7FFFFFFF  }
0xc5: {  	_ =	shalt  }
tec
execute0_lowered:
.L_overlay_start_1:
0x0: {  	(tag) =	ssettag $0x1  }
0x1: {  	s1 =	rddreg [dreg:$0x0]  }
0x2: {  	s0 =	srdreg.scid;
	s2 =	rddreg [dreg:$0x1]  }
0x3: {  	s8 =	stileid.u32;
	s4 =	rddreg [dreg:$0x2]  }
0x4: {  	s9 =	simm.s32 $0xA;
	s0 =	sand.u32 $0x1, s0;
	s3 =	sshll.u32 s8, $0x1  }
0x5: {  	s10 =	simm.s32 $0xB;
	s11 =	simm.s32 $0xC;
	s5 =	sor.u32 s0, s3  }
0x6: {  	s12 =	simm.s32 $0xD;
	s13 =	simm.s32 $0xE;
	s6 =	smul.u32 $0xC8000, s5  }
0x7: {  	s14 =	simm.s32 $0xF;
	s3 =	simm.s32 $0x0;
	s5 =	smul.u32 $0x680, s5  }
0x8: {  	s15 =	simm.s32 $0x10;
	s7 =	ssub.s32 $0x2, s0;
	[smem:$0x7FF] =	sst s3  }
0x9: {  	s18 =	sshrl.u32 s7, $0x1;
	_ =	strace $0x80000047;
	s2 =	sadd.s32 s5, s2  }
0xa: {  	s6 =	sshrl.u32 s6, $0x3;
	s5 =	ssub.s32 s7, s18;
	s2 =	sadd.s32 $0x400, s2  }
0xb: {  	s6 =	sadd.s32 s4, s6;
	s31 =	smax.u32 s5, $0x1;
	[dreg:$0x4] =	wrdreg s2  }
0xc: {  	s17 =	simm.s32 $0x11;
	s19 =	sadd.s32 $0x16800, s6;
	[dreg:$0xf] =	wrdreg s31  }
0xd: {  	s16 =	simm.s32 $0x12;
	s20 =	sadd.s32 $0x16C00, s6;
	[dreg:$0x5] =	wrdreg s19  }
0xe: {  	s22 =	smul.u32 $0x32000, s8;
	s21 =	sadd.s32 $0x17000, s6;
	[dreg:$0x6] =	wrdreg s20  }
0xf: {  	s8 =	simm.s32 $0x9;
	s23 =	sadd.s32 $0x17400, s6;
	[dreg:$0x7] =	wrdreg s21  }
0x10: {  	s0 =	smul.u32 $0x19000, s0;
	s24 =	sadd.s32 $0x17800, s6;
	[dreg:$0x8] =	wrdreg s23  }
0x11: {  	s18 =	simm.s32 $0x40;
	s25 =	sadd.s32 $0x17C00, s6;
	[dreg:$0x9] =	wrdreg s24  }
0x12: {  	s7 =	simm.s32 $0x8;
	s26 =	sadd.s32 $0x18000, s6;
	[dreg:$0xa] =	wrdreg s25  }
0x13: {  	s2 =	sadd.s32 s22, s4;
	s28 =	sadd.s32 $0x18400, s6;
	[dreg:$0xb] =	wrdreg s26  }
0x14: {  	s29 =	sadd.s32 $0x18800, s6;
	s30 =	sadd.s32 $0x18C00, s6;
	[dreg:$0xc] =	wrdreg s28  }
0x15: {  	s6 =	simm.s32 $0x7;
	[dreg:$0xd] =	wrdreg s29;
	s0 =	sadd.s32 s0, s2  }
0x16: {  	[dreg:$0xe] =	wrdreg s30;
	s19 =	simm.s32 $0x13;
	s0 =	sadd.s32 $0x2400, s0  }
0x17: {  	s21 =	simm.s32 $0x14;
	[dreg:$0x10] =	wrdreg s0;
	s0 =	simm.s32 $0x0  }
.LBB2_1:
0x18: {  	[dreg:$0x11] =	wrdreg s0  }
0x19: {  	s23 =	rddreg [dreg:$0x4];
	s26 =	simm.s32 $0x15  }
0x1a: {  	[tilespmem:s3], [sflag:$0x15] =	stream.linear.gather [hbm4b:s23+s3], $0x3200, $0x38;
	[tilespmem:$0x17400] =	vst v63  }
0x1b: {  	_ =	swait.ge [sflag:s26], $0x3200  }
0x1c: {  	[sflag:s26] =	ssyncset.done $0x0  }
0x1d: {  	s2 =	simm.s32 $0x3400;
	[sflag:s26] =	ssyncadd.s32 $0xFFFFCE00  }
0x1e: {  	[tilespmem:s2], [sflag:$0x1] =	stream.indirect.gather [hbm4b:s1+s18], $0x80, s3, s18, $0xb8;
	[tilespmem:$0x17400] =	vst v63  }
0x1f: {  	s20 =	simm.s32 $0x80;
	s24 =	simm.s32 $0x5400  }
0x20: {  	[tilespmem:s24], [sflag:$0x2] =	stream.indirect.gather [hbm4b:s1+s18], $0x80, s20, s18, $0xb8;
	[tilespmem:$0x17400] =	vst v63  }
0x21: {  	s29 =	simm.s32 $0x100;
	s28 =	simm.s32 $0x7400  }
0x22: {  	[tilespmem:s28], [sflag:$0x3] =	stream.indirect.gather [hbm4b:s1+s18], $0x80, s29, s18, $0xb8;
	[tilespmem:$0x17400] =	vst v63  }
0x23: {  	s30 =	simm.s32 $0x180;
	s29 =	simm.s32 $0x9400  }
0x24: {  	[tilespmem:s29], [sflag:$0x4] =	stream.indirect.gather [hbm4b:s1+s18], $0x80, s30, s18, $0xb8;
	[tilespmem:$0x17400] =	vst v63  }
0x25: {  	s31 =	simm.s32 $0x200;
	s0 =	simm.s32 $0xB400  }
0x26: {  	[tilespmem:s0], [sflag:$0x5] =	stream.indirect.gather [hbm4b:s1+s18], $0x80, s31, s18, $0xb8;
	[tilespmem:$0x17400] =	vst v63  }
0x27: {  	s4 =	simm.s32 $0x280;
	s22 =	simm.s32 $0xD400  }
0x28: {  	[tilespmem:s22], [sflag:$0x6] =	stream.indirect.gather [hbm4b:s1+s18], $0x80, s4, s18, $0xb8;
	[tilespmem:$0x17400] =	vst v63  }
0x29: {  	s5 =	simm.s32 $0x300;
	s26 =	simm.s32 $0xF400  }
0x2a: {  	[tilespmem:s26], [sflag:$0x7] =	stream.indirect.gather [hbm4b:s1+s18], $0x80, s5, s18, $0xb8;
	[tilespmem:$0x17400] =	vst v63  }
0x2b: {  	s23 =	simm.s32 $0x380;
	s30 =	simm.s32 $0x11400  }
0x2c: {  	[tilespmem:s30], [sflag:$0x8] =	stream.indirect.gather [hbm4b:s1+s18], $0x80, s23, s18, $0xb8;
	[tilespmem:$0x17400] =	vst v63  }
0x2d: {  	s20 =	simm.s32 $0x13400;
	s4 =	simm.s32 $0x400  }
0x2e: {  	[tilespmem:s20], [sflag:$0x9] =	stream.indirect.gather [hbm4b:s1+s18], $0x80, s4, s18, $0xb8;
	[tilespmem:$0x17400] =	vst v63  }
0x2f: {  	s25 =	simm.s32 $0x480;
	s31 =	simm.s32 $0x1;
	s5 =	simm.s32 $0x15400  }
0x30: {  	[tilespmem:s5], [sflag:$0xA] =	stream.indirect.gather [hbm4b:s1+s18], $0x80, s25, s18, $0xb8;
	[tilespmem:$0x17400] =	vst v63  }
0x31: {  	_ =	swait.ge [sflag:s31], $0x2000  }
0x32: {  	[sflag:s31] =	ssyncset.done $0x0;
	s25 =	rddreg [dreg:$0x10]  }
0x33: {  	[sflag:s31] =	ssyncadd.s32 $0xFFFFE000;
	s4 =	sadd.s32 $0xFFFFDC00, s25;
	s31 =	simm.s32 $0x2  }
0x34: {  	[hbm4b:s4+s3] =	stream.linear.scatter [tilespmem:s2], [sflag:$0xB], $0x2000, $0x38;
	[tilespmem:$0x17400] =	vst v63  }
0x35: {  	_ =	swait.ge [sflag:s31], $0x2000  }
0x36: {  	[sflag:s31] =	ssyncset.done $0x0  }
0x37: {  	s4 =	sadd.s32 $0xFFFFE000, s25;
	[sflag:s31] =	ssyncadd.s32 $0xFFFFE000;
	s31 =	simm.s32 $0x3  }
0x38: {  	[hbm4b:s4+s3] =	stream.linear.scatter [tilespmem:s24], [sflag:$0xC], $0x2000, $0x38;
	[tilespmem:$0x17400] =	vst v63  }
0x39: {  	_ =	swait.ge [sflag:s31], $0x2000  }
0x3a: {  	[sflag:s31] =	ssyncset.done $0x0  }
0x3b: {  	s4 =	sadd.s32 $0xFFFFE400, s25;
	[sflag:s31] =	ssyncadd.s32 $0xFFFFE000;
	s31 =	simm.s32 $0x4  }
0x3c: {  	[hbm4b:s4+s3] =	stream.linear.scatter [tilespmem:s28], [sflag:$0xD], $0x2000, $0x38;
	[tilespmem:$0x17400] =	vst v63  }
0x3d: {  	_ =	swait.ge [sflag:s31], $0x2000  }
0x3e: {  	[sflag:s31] =	ssyncset.done $0x0  }
0x3f: {  	s4 =	sadd.s32 $0xFFFFE800, s25;
	[sflag:s31] =	ssyncadd.s32 $0xFFFFE000;
	s31 =	simm.s32 $0x5  }
0x40: {  	[hbm4b:s4+s3] =	stream.linear.scatter [tilespmem:s29], [sflag:$0xE], $0x2000, $0x38;
	[tilespmem:$0x17400] =	vst v63  }
0x41: {  	_ =	swait.ge [sflag:s31], $0x2000  }
0x42: {  	[sflag:s31] =	ssyncset.done $0x0  }
0x43: {  	s4 =	sadd.s32 $0xFFFFEC00, s25;
	[sflag:s31] =	ssyncadd.s32 $0xFFFFE000;
	s31 =	simm.s32 $0x6  }
0x44: {  	[hbm4b:s4+s3] =	stream.linear.scatter [tilespmem:s0], [sflag:$0xF], $0x2000, $0x38;
	[tilespmem:$0x17400] =	vst v63  }
0x45: {  	_ =	swait.ge [sflag:s31], $0x2000  }
0x46: {  	[sflag:s31] =	ssyncset.done $0x0  }
0x47: {  	s4 =	sadd.s32 $0xFFFFF000, s25;
	[sflag:s31] =	ssyncadd.s32 $0xFFFFE000  }
0x48: {  	[hbm4b:s4+s3] =	stream.linear.scatter [tilespmem:s22], [sflag:$0x10], $0x2000, $0x38;
	[tilespmem:$0x17400] =	vst v63  }
0x49: {  	_ =	swait.ge [sflag:s6], $0x2000  }
0x4a: {  	[sflag:s6] =	ssyncset.done $0x0  }
0x4b: {  	s31 =	sadd.s32 $0xFFFFF400, s25;
	[sflag:s6] =	ssyncadd.s32 $0xFFFFE000  }
0x4c: {  	[hbm4b:s31+s3] =	stream.linear.scatter [tilespmem:s26], [sflag:$0x11], $0x2000, $0x38;
	[tilespmem:$0x17400] =	vst v63  }
0x4d: {  	_ =	swait.ge [sflag:s7], $0x2000  }
0x4e: {  	[sflag:s7] =	ssyncset.done $0x0  }
0x4f: {  	s4 =	sadd.s32 $0xFFFFF800, s25;
	[sflag:s7] =	ssyncadd.s32 $0xFFFFE000  }
0x50: {  	[hbm4b:s4+s3] =	stream.linear.scatter [tilespmem:s30], [sflag:$0x12], $0x2000, $0x38;
	[tilespmem:$0x17400] =	vst v63  }
0x51: {  	_ =	swait.ge [sflag:s8], $0x2000  }
0x52: {  	[sflag:s8] =	ssyncset.done $0x0  }
0x53: {  	s31 =	sadd.s32 $0xFFFFFC00, s25;
	[sflag:s8] =	ssyncadd.s32 $0xFFFFE000  }
0x54: {  	[hbm4b:s31+s3] =	stream.linear.scatter [tilespmem:s20], [sflag:$0x13], $0x2000, $0x38;
	[tilespmem:$0x17400] =	vst v63  }
0x55: {  	_ =	swait.ge [sflag:s9], $0x2000  }
0x56: {  	[sflag:s9] =	ssyncset.done $0x0  }
0x57: {  	[sflag:s9] =	ssyncadd.s32 $0xFFFFE000  }
0x58: {  	[hbm4b:s25+s3] =	stream.linear.scatter [tilespmem:s5], [sflag:$0x14], $0x2000, $0x38;
	[tilespmem:$0x17400] =	vst v63  }
0x59: {  	_ =	swait.ge [sflag:s10], $0x2000  }
0x5a: {  	[sflag:s10] =	ssyncset.done $0x0  }
0x5b: {  	s4 =	simm.s32 $0x500;
	[sflag:s10] =	ssyncadd.s32 $0xFFFFE000  }
0x5c: {  	[tilespmem:s2], [sflag:$0x1] =	stream.indirect.gather [hbm4b:s1+s18], $0x80, s4, s18, $0xb8;
	[tilespmem:$0x17400] =	vst v63  }
0x5d: {  	_ =	swait.ge [sflag:s11], $0x2000  }
0x5e: {  	[sflag:s11] =	ssyncset.done $0x0  }
0x5f: {  	s5 =	simm.s32 $0x580;
	[sflag:s11] =	ssyncadd.s32 $0xFFFFE000  }
0x60: {  	[tilespmem:s24], [sflag:$0x2] =	stream.indirect.gather [hbm4b:s1+s18], $0x80, s5, s18, $0xb8;
	[tilespmem:$0x17400] =	vst v63  }
0x61: {  	_ =	swait.ge [sflag:s12], $0x2000  }
0x62: {  	[sflag:s12] =	ssyncset.done $0x0  }
0x63: {  	s31 =	simm.s32 $0x600;
	[sflag:s12] =	ssyncadd.s32 $0xFFFFE000  }
0x64: {  	[tilespmem:s28], [sflag:$0x3] =	stream.indirect.gather [hbm4b:s1+s18], $0x80, s31, s18, $0xb8;
	[tilespmem:$0x17400] =	vst v63  }
0x65: {  	_ =	swait.ge [sflag:s13], $0x2000  }
0x66: {  	[sflag:s13] =	ssyncset.done $0x0  }
0x67: {  	s2 =	simm.s32 $0x680;
	[sflag:s13] =	ssyncadd.s32 $0xFFFFE000  }
0x68: {  	[tilespmem:s29], [sflag:$0x4] =	stream.indirect.gather [hbm4b:s1+s18], $0x80, s2, s18, $0xb8;
	[tilespmem:$0x17400] =	vst v63  }
0x69: {  	_ =	swait.ge [sflag:s14], $0x2000  }
0x6a: {  	[sflag:s14] =	ssyncset.done $0x0  }
0x6b: {  	s4 =	simm.s32 $0x700;
	[sflag:s14] =	ssyncadd.s32 $0xFFFFE000  }
0x6c: {  	[tilespmem:s0], [sflag:$0x5] =	stream.indirect.gather [hbm4b:s1+s18], $0x80, s4, s18, $0xb8;
	[tilespmem:$0x17400] =	vst v63  }
0x6d: {  	_ =	swait.ge [sflag:s15], $0x2000  }
0x6e: {  	[sflag:s15] =	ssyncset.done $0x0  }
0x6f: {  	s5 =	simm.s32 $0x780;
	[sflag:s15] =	ssyncadd.s32 $0xFFFFE000  }
0x70: {  	[tilespmem:s22], [sflag:$0x6] =	stream.indirect.gather [hbm4b:s1+s18], $0x80, s5, s18, $0xb8;
	[tilespmem:$0x17400] =	vst v63  }
0x71: {  	_ =	swait.ge [sflag:s17], $0x2000  }
0x72: {  	[sflag:s17] =	ssyncset.done $0x0  }
0x73: {  	s24 =	simm.s32 $0x800;
	[sflag:s17] =	ssyncadd.s32 $0xFFFFE000  }
0x74: {  	[tilespmem:s26], [sflag:$0x7] =	stream.indirect.gather [hbm4b:s1+s18], $0x80, s24, s18, $0xb8;
	[tilespmem:$0x17400] =	vst v63  }
0x75: {  	_ =	swait.ge [sflag:s16], $0x2000  }
0x76: {  	[sflag:s16] =	ssyncset.done $0x0  }
0x77: {  	s29 =	simm.s32 $0x880;
	[sflag:s16] =	ssyncadd.s32 $0xFFFFE000  }
0x78: {  	[tilespmem:s30], [sflag:$0x8] =	stream.indirect.gather [hbm4b:s1+s18], $0x80, s29, s18, $0xb8;
	[tilespmem:$0x17400] =	vst v63  }
0x79: {  	_ =	swait.ge [sflag:s19], $0x2000  }
0x7a: {  	[sflag:s19] =	ssyncset.done $0x0  }
0x7b: {  	s31 =	simm.s32 $0x900;
	[sflag:s19] =	ssyncadd.s32 $0xFFFFE000  }
0x7c: {  	[tilespmem:s20], [sflag:$0x9] =	stream.indirect.gather [hbm4b:s1+s18], $0x80, s31, s18, $0xb8;
	[tilespmem:$0x17400] =	vst v63  }
0x7d: {  	_ =	swait.ge [sflag:s21], $0x2000  }
0x7e: {  	s23 =	simm.s32 $0x1400;
	[sflag:s21] =	ssyncset.done $0x0  }
0x7f: {  	s25 =	sadd.s32 $0x2800, s25;
	s28 =	simm.s32 $0x980;
	[sflag:s21] =	ssyncadd.s32 $0xFFFFE000  }
.LBB2_2:
0x80: {  	s20 =	simm.s32 $0x15400  }
0x81: {  	[tilespmem:s20], [sflag:$0xA] =	stream.indirect.gather [hbm4b:s1+s18], $0x80, s28, s18, $0xb8;
	[tilespmem:$0x17400] =	vst v63  }
0x82: {  	s0 =	simm.s32 $0x1;
	s28 =	smov.u32 s23  }
0x83: {  	p0 =	sne.s32 s23, $0xA000;
	s23 =	sadd.s32 $0x1400, s23;
	_ =	swait.ge [sflag:s0], $0x2000  }
0x84: {  	s30 =	sadd.s32 $0xFFFFDC00, s25;
	[sflag:s0] =	ssyncset.done $0x0  }
0x85: {  	s2 =	simm.s32 $0x3400;
	[sflag:s0] =	ssyncadd.s32 $0xFFFFE000;
	s0 =	simm.s32 $0x2  }
0x86: {  	[hbm4b:s30+s3] =	stream.linear.scatter [tilespmem:s2], [sflag:$0xB], $0x2000, $0x38;
	[tilespmem:$0x17400] =	vst v63  }
0x87: {  	_ =	swait.ge [sflag:s0], $0x2000  }
0x88: {  	s24 =	simm.s32 $0x5400;
	[sflag:s0] =	ssyncset.done $0x0  }
0x89: {  	s30 =	sadd.s32 $0xFFFFE000, s25;
	[sflag:s0] =	ssyncadd.s32 $0xFFFFE000;
	s0 =	simm.s32 $0x3  }
0x8a: {  	[hbm4b:s30+s3] =	stream.linear.scatter [tilespmem:s24], [sflag:$0xC], $0x2000, $0x38;
	[tilespmem:$0x17400] =	vst v63  }
0x8b: {  	_ =	swait.ge [sflag:s0], $0x2000  }
0x8c: {  	s29 =	simm.s32 $0x7400;
	[sflag:s0] =	ssyncset.done $0x0  }
0x8d: {  	s30 =	sadd.s32 $0xFFFFE400, s25;
	[sflag:s0] =	ssyncadd.s32 $0xFFFFE000;
	s0 =	simm.s32 $0x4  }
0x8e: {  	[hbm4b:s30+s3] =	stream.linear.scatter [tilespmem:s29], [sflag:$0xD], $0x2000, $0x38;
	[tilespmem:$0x17400] =	vst v63  }
0x8f: {  	_ =	swait.ge [sflag:s0], $0x2000  }
0x90: {  	s31 =	simm.s32 $0x9400;
	[sflag:s0] =	ssyncset.done $0x0  }
0x91: {  	s30 =	sadd.s32 $0xFFFFE800, s25;
	[sflag:s0] =	ssyncadd.s32 $0xFFFFE000;
	s0 =	simm.s32 $0x5  }
0x92: {  	[hbm4b:s30+s3] =	stream.linear.scatter [tilespmem:s31], [sflag:$0xE], $0x2000, $0x38;
	[tilespmem:$0x17400] =	vst v63  }
0x93: {  	_ =	swait.ge [sflag:s0], $0x2000  }
0x94: {  	s4 =	simm.s32 $0x6;
	[sflag:s0] =	ssyncset.done $0x0  }
0x95: {  	s30 =	sadd.s32 $0xFFFFEC00, s25;
	[sflag:s0] =	ssyncadd.s32 $0xFFFFE000;
	s0 =	simm.s32 $0xB400  }
0x96: {  	[hbm4b:s30+s3] =	stream.linear.scatter [tilespmem:s0], [sflag:$0xF], $0x2000, $0x38;
	[tilespmem:$0x17400] =	vst v63  }
0x97: {  	_ =	swait.ge [sflag:s4], $0x2000  }
0x98: {  	[sflag:s4] =	ssyncset.done $0x0  }
0x99: {  	s22 =	simm.s32 $0xD400;
	s30 =	sadd.s32 $0xFFFFF000, s25;
	[sflag:s4] =	ssyncadd.s32 $0xFFFFE000  }
0x9a: {  	[hbm4b:s30+s3] =	stream.linear.scatter [tilespmem:s22], [sflag:$0x10], $0x2000, $0x38;
	[tilespmem:$0x17400] =	vst v63  }
0x9b: {  	_ =	swait.ge [sflag:s6], $0x2000  }
0x9c: {  	[sflag:s6] =	ssyncset.done $0x0  }
0x9d: {  	s26 =	simm.s32 $0xF400;
	s30 =	sadd.s32 $0xFFFFF400, s25;
	[sflag:s6] =	ssyncadd.s32 $0xFFFFE000  }
0x9e: {  	[hbm4b:s30+s3] =	stream.linear.scatter [tilespmem:s26], [sflag:$0x11], $0x2000, $0x38;
	[tilespmem:$0x17400] =	vst v63  }
0x9f: {  	_ =	swait.ge [sflag:s7], $0x2000  }
0xa0: {  	[sflag:s7] =	ssyncset.done $0x0  }
0xa1: {  	s4 =	simm.s32 $0x11400;
	s30 =	sadd.s32 $0xFFFFF800, s25;
	[sflag:s7] =	ssyncadd.s32 $0xFFFFE000  }
0xa2: {  	[hbm4b:s30+s3] =	stream.linear.scatter [tilespmem:s4], [sflag:$0x12], $0x2000, $0x38;
	[tilespmem:$0x17400] =	vst v63  }
0xa3: {  	_ =	swait.ge [sflag:s8], $0x2000  }
0xa4: {  	[sflag:s8] =	ssyncset.done $0x0  }
0xa5: {  	s5 =	simm.s32 $0x13400;
	s30 =	sadd.s32 $0xFFFFFC00, s25;
	[sflag:s8] =	ssyncadd.s32 $0xFFFFE000  }
0xa6: {  	[hbm4b:s30+s3] =	stream.linear.scatter [tilespmem:s5], [sflag:$0x13], $0x2000, $0x38;
	[tilespmem:$0x17400] =	vst v63  }
0xa7: {  	_ =	swait.ge [sflag:s9], $0x2000  }
0xa8: {  	[sflag:s9] =	ssyncset.done $0x0  }
0xa9: {  	[sflag:s9] =	ssyncadd.s32 $0xFFFFE000  }
0xaa: {  	[hbm4b:s25+s3] =	stream.linear.scatter [tilespmem:s20], [sflag:$0x14], $0x2000, $0x38;
	[tilespmem:$0x17400] =	vst v63  }
0xab: {  	_ =	swait.ge [sflag:s10], $0x2000  }
0xac: {  	s28 =	sshra.s32 s28, $0x2;
	[sflag:s10] =	ssyncset.done $0x0  }
0xad: {  	s30 =	sadd.s32 $0x500, s28;
	s20 =	simm.s32 $0x3400;
	[sflag:s10] =	ssyncadd.s32 $0xFFFFE000  }
0xae: {  	[tilespmem:s2], [sflag:$0x1] =	stream.indirect.gather [hbm4b:s1+s18], $0x80, s30, s18, $0xb8;
	[tilespmem:$0x17400] =	vst v63  }
0xaf: {  	_ =	swait.ge [sflag:s11], $0x2000  }
0xb0: {  	[sflag:s11] =	ssyncset.done $0x0  }
0xb1: {  	s30 =	sadd.s32 $0x580, s28;
	s2 =	simm.s32 $0x5400;
	[sflag:s11] =	ssyncadd.s32 $0xFFFFE000  }
0xb2: {  	[tilespmem:s24], [sflag:$0x2] =	stream.indirect.gather [hbm4b:s1+s18], $0x80, s30, s18, $0xb8;
	[tilespmem:$0x17400] =	vst v63  }
0xb3: {  	_ =	swait.ge [sflag:s12], $0x2000  }
0xb4: {  	[sflag:s12] =	ssyncset.done $0x0  }
0xb5: {  	s30 =	sadd.s32 $0x600, s28;
	s24 =	simm.s32 $0x7400;
	[sflag:s12] =	ssyncadd.s32 $0xFFFFE000  }
0xb6: {  	[tilespmem:s29], [sflag:$0x3] =	stream.indirect.gather [hbm4b:s1+s18], $0x80, s30, s18, $0xb8;
	[tilespmem:$0x17400] =	vst v63  }
0xb7: {  	_ =	swait.ge [sflag:s13], $0x2000  }
0xb8: {  	[sflag:s13] =	ssyncset.done $0x0  }
0xb9: {  	s30 =	sadd.s32 $0x680, s28;
	s29 =	simm.s32 $0x9400;
	[sflag:s13] =	ssyncadd.s32 $0xFFFFE000  }
0xba: {  	[tilespmem:s31], [sflag:$0x4] =	stream.indirect.gather [hbm4b:s1+s18], $0x80, s30, s18, $0xb8;
	[tilespmem:$0x17400] =	vst v63  }
0xbb: {  	_ =	swait.ge [sflag:s14], $0x2000  }
0xbc: {  	[sflag:s14] =	ssyncset.done $0x0  }
0xbd: {  	s30 =	sadd.s32 $0x700, s28;
	s31 =	simm.s32 $0xB400;
	[sflag:s14] =	ssyncadd.s32 $0xFFFFE000  }
0xbe: {  	[tilespmem:s0], [sflag:$0x5] =	stream.indirect.gather [hbm4b:s1+s18], $0x80, s30, s18, $0xb8;
	[tilespmem:$0x17400] =	vst v63  }
0xbf: {  	_ =	swait.ge [sflag:s15], $0x2000  }
0xc0: {  	[sflag:s15] =	ssyncset.done $0x0  }
0xc1: {  	s30 =	sadd.s32 $0x780, s28;
	s0 =	simm.s32 $0xD400;
	[sflag:s15] =	ssyncadd.s32 $0xFFFFE000  }
0xc2: {  	[tilespmem:s22], [sflag:$0x6] =	stream.indirect.gather [hbm4b:s1+s18], $0x80, s30, s18, $0xb8;
	[tilespmem:$0x17400] =	vst v63  }
0xc3: {  	_ =	swait.ge [sflag:s17], $0x2000  }
0xc4: {  	[sflag:s17] =	ssyncset.done $0x0  }
0xc5: {  	s30 =	sadd.s32 $0x800, s28;
	s22 =	simm.s32 $0xF400;
	[sflag:s17] =	ssyncadd.s32 $0xFFFFE000  }
0xc6: {  	[tilespmem:s26], [sflag:$0x7] =	stream.indirect.gather [hbm4b:s1+s18], $0x80, s30, s18, $0xb8;
	[tilespmem:$0x17400] =	vst v63  }
0xc7: {  	_ =	swait.ge [sflag:s16], $0x2000  }
0xc8: {  	[sflag:s16] =	ssyncset.done $0x0  }
0xc9: {  	s30 =	sadd.s32 $0x880, s28;
	s26 =	simm.s32 $0x11400;
	[sflag:s16] =	ssyncadd.s32 $0xFFFFE000  }
0xca: {  	[tilespmem:s4], [sflag:$0x8] =	stream.indirect.gather [hbm4b:s1+s18], $0x80, s30, s18, $0xb8;
	[tilespmem:$0x17400] =	vst v63  }
0xcb: {  	_ =	swait.ge [sflag:s19], $0x2000  }
0xcc: {  	s30 =	sadd.s32 $0x900, s28;
	[sflag:s19] =	ssyncset.done $0x0  }
.Ltmp0:
0xcd: {  	s4 =	simm.s32 $0x13400;
	[sflag:s19] =	ssyncadd.s32 $0xFFFFE000;
	(pc) =	sbr.rel @p0 .LBB2_2-.Ltmp0, $4  }
0xce: {  	[tilespmem:s5], [sflag:$0x9] =	stream.indirect.gather [hbm4b:s1+s18], $0x80, s30, s18, $0xb8;
	[tilespmem:$0x17400] =	vst v63  }
0xcf: {  	_ =	swait.ge [sflag:s21], $0x2000  }
0xd0: {  	[sflag:s21] =	ssyncset.done $0x0  }
0xd1: {  	s25 =	sadd.s32 $0x2800, s25;
	s28 =	sadd.s32 $0x980, s28;
	[sflag:s21] =	ssyncadd.s32 $0xFFFFE000  }
0xd2: {  	s5 =	simm.s32 $0x15400;
	s23 =	simm.s32 $0x1  }
0xd3: {  	[tilespmem:s5], [sflag:$0xA] =	stream.indirect.gather [hbm4b:s1+s18], $0x80, s28, s18, $0xb8;
	[tilespmem:$0x17400] =	vst v63  }
0xd4: {  	_ =	swait.ge [sflag:s23], $0x2000  }
0xd5: {  	[sflag:s23] =	ssyncset.done $0x0  }
0xd6: {  	s25 =	simm.s32 $0x2;
	s30 =	rddreg [dreg:$0x5];
	[sflag:s23] =	ssyncadd.s32 $0xFFFFE000  }
0xd7: {  	[hbm4b:s30+s3] =	stream.linear.scatter [tilespmem:s20], [sflag:$0xB], $0x2000, $0x38;
	[tilespmem:$0x17400] =	vst v63  }
0xd8: {  	_ =	swait.ge [sflag:s25], $0x2000  }
0xd9: {  	[sflag:s25] =	ssyncset.done $0x0  }
0xda: {  	s30 =	simm.s32 $0x3;
	s28 =	rddreg [dreg:$0x6];
	[sflag:s25] =	ssyncadd.s32 $0xFFFFE000  }
0xdb: {  	[hbm4b:s28+s3] =	stream.linear.scatter [tilespmem:s2], [sflag:$0xC], $0x2000, $0x38;
	[tilespmem:$0x17400] =	vst v63  }
0xdc: {  	_ =	swait.ge [sflag:s30], $0x2000  }
0xdd: {  	[sflag:s30] =	ssyncset.done $0x0  }
0xde: {  	s25 =	simm.s32 $0x4;
	s20 =	rddreg [dreg:$0x7];
	[sflag:s30] =	ssyncadd.s32 $0xFFFFE000  }
0xdf: {  	[hbm4b:s20+s3] =	stream.linear.scatter [tilespmem:s24], [sflag:$0xD], $0x2000, $0x38;
	[tilespmem:$0x17400] =	vst v63  }
0xe0: {  	_ =	swait.ge [sflag:s25], $0x2000  }
0xe1: {  	[sflag:s25] =	ssyncset.done $0x0  }
0xe2: {  	s28 =	rddreg [dreg:$0x8];
	[sflag:s25] =	ssyncadd.s32 $0xFFFFE000  }
0xe3: {  	[hbm4b:s28+s3] =	stream.linear.scatter [tilespmem:s29], [sflag:$0xE], $0x2000, $0x38;
	[tilespmem:$0x17400] =	vst v63  }
0xe4: {  	s29 =	simm.s32 $0x5  }
0xe5: {  	_ =	swait.ge [sflag:s29], $0x2000  }
0xe6: {  	[sflag:s29] =	ssyncset.done $0x0  }
0xe7: {  	s30 =	rddreg [dreg:$0x9];
	[sflag:s29] =	ssyncadd.s32 $0xFFFFE000  }
0xe8: {  	[hbm4b:s30+s3] =	stream.linear.scatter [tilespmem:s31], [sflag:$0xF], $0x2000, $0x38;
	[tilespmem:$0x17400] =	vst v63  }
0xe9: {  	s31 =	simm.s32 $0x6  }
0xea: {  	_ =	swait.ge [sflag:s31], $0x2000  }
0xeb: {  	[sflag:s31] =	ssyncset.done $0x0  }
0xec: {  	s20 =	rddreg [dreg:$0xa];
	[sflag:s31] =	ssyncadd.s32 $0xFFFFE000  }
0xed: {  	[hbm4b:s20+s3] =	stream.linear.scatter [tilespmem:s0], [sflag:$0x10], $0x2000, $0x38;
	[tilespmem:$0x17400] =	vst v63  }
0xee: {  	_ =	swait.ge [sflag:s6], $0x2000  }
0xef: {  	[sflag:s6] =	ssyncset.done $0x0  }
0xf0: {  	s24 =	rddreg [dreg:$0xb];
	[sflag:s6] =	ssyncadd.s32 $0xFFFFE000  }
0xf1: {  	[hbm4b:s24+s3] =	stream.linear.scatter [tilespmem:s22], [sflag:$0x11], $0x2000, $0x38;
	[tilespmem:$0x17400] =	vst v63  }
0xf2: {  	_ =	swait.ge [sflag:s7], $0x2000  }
0xf3: {  	[sflag:s7] =	ssyncset.done $0x0  }
0xf4: {  	s25 =	rddreg [dreg:$0xc];
	[sflag:s7] =	ssyncadd.s32 $0xFFFFE000  }
0xf5: {  	[hbm4b:s25+s3] =	stream.linear.scatter [tilespmem:s26], [sflag:$0x12], $0x2000, $0x38;
	[tilespmem:$0x17400] =	vst v63  }
0xf6: {  	_ =	swait.ge [sflag:s8], $0x2000  }
0xf7: {  	[sflag:s8] =	ssyncset.done $0x0  }
0xf8: {  	s28 =	rddreg [dreg:$0xd];
	[sflag:s8] =	ssyncadd.s32 $0xFFFFE000  }
0xf9: {  	[hbm4b:s28+s3] =	stream.linear.scatter [tilespmem:s4], [sflag:$0x13], $0x2000, $0x38;
	[tilespmem:$0x17400] =	vst v63  }
0xfa: {  	_ =	swait.ge [sflag:s9], $0x2000  }
0xfb: {  	[sflag:s9] =	ssyncset.done $0x0  }
0xfc: {  	s29 =	rddreg [dreg:$0xe];
	[sflag:s9] =	ssyncadd.s32 $0xFFFFE000  }
0xfd: {  	[hbm4b:s29+s3] =	stream.linear.scatter [tilespmem:s5], [sflag:$0x14], $0x2000, $0x38;
	[tilespmem:$0x17400] =	vst v63  }
0xfe: {  	_ =	swait.ge [sflag:s10], $0x2000  }
0xff: {  	[sflag:s10] =	ssyncset.done $0x0  }
0x100: {  	[sflag:s10] =	ssyncadd.s32 $0xFFFFE000  }
0x101: {  	_ =	swait.ge [sflag:s11], $0x2000  }
0x102: {  	[sflag:s11] =	ssyncset.done $0x0  }
0x103: {  	[sflag:s11] =	ssyncadd.s32 $0xFFFFE000  }
0x104: {  	_ =	swait.ge [sflag:s12], $0x2000  }
0x105: {  	[sflag:s12] =	ssyncset.done $0x0  }
0x106: {  	[sflag:s12] =	ssyncadd.s32 $0xFFFFE000  }
0x107: {  	_ =	swait.ge [sflag:s13], $0x2000  }
0x108: {  	[sflag:s13] =	ssyncset.done $0x0  }
0x109: {  	[sflag:s13] =	ssyncadd.s32 $0xFFFFE000  }
0x10a: {  	_ =	swait.ge [sflag:s14], $0x2000  }
0x10b: {  	[sflag:s14] =	ssyncset.done $0x0  }
0x10c: {  	[sflag:s14] =	ssyncadd.s32 $0xFFFFE000  }
0x10d: {  	_ =	swait.ge [sflag:s15], $0x2000  }
0x10e: {  	[sflag:s15] =	ssyncset.done $0x0  }
0x10f: {  	[sflag:s15] =	ssyncadd.s32 $0xFFFFE000  }
0x110: {  	_ =	swait.ge [sflag:s17], $0x2000  }
0x111: {  	[sflag:s17] =	ssyncset.done $0x0  }
0x112: {  	[sflag:s17] =	ssyncadd.s32 $0xFFFFE000  }
0x113: {  	_ =	swait.ge [sflag:s16], $0x2000  }
0x114: {  	[sflag:s16] =	ssyncset.done $0x0  }
0x115: {  	[sflag:s16] =	ssyncadd.s32 $0xFFFFE000  }
0x116: {  	_ =	swait.ge [sflag:s19], $0x2000  }
0x117: {  	[sflag:s19] =	ssyncset.done $0x0  }
0x118: {  	[sflag:s19] =	ssyncadd.s32 $0xFFFFE000  }
0x119: {  	_ =	swait.ge [sflag:s21], $0x2000  }
0x11a: {  	s30 =	rddreg [dreg:$0x11]  }
0x11b: {  	s31 =	rddreg [dreg:$0xf];
	s0 =	sadd.s32 $0x1, s30  }
0x11c: {  	p0 =	sne.s32 s0, s31  }
.Ltmp1:
0x11d: {  	_ = 	snop;
	(pc) =	sbr.rel @p0 .LBB2_1-.Ltmp1, $3  }
0x11e: {  	_ =	sdelay $0x1  }
0x11f: {  	[sflag:s21] =	ssyncset.done $0x0  }
0x120: {  	[sflag:s21] =	ssyncadd.s32 $0xFFFFE000  }
0x121: {  	_ =	sfence.sel $0x180000  }
0x122: {  	[bflag:$0x0] =	sbarrier.arrive $0xFFFF  }
0x123: {  	_ =	strace $0x90000047  }
0x124: {  	s0 =	stileid.u32;
	[bflag:$0x2] =	sbarrier.arrive $0xFFFF  }
0x125: {  	p0 =	sne.s32 s0, $0x0;
	s0 =	rddreg [dreg:$0x3]  }
0x126: {  	s0 =	sadd.s32 @!p0 $0x100000, s0  }
0x127: {  	[sflag:s0] =	ssyncadd.tile.s32 @!p0 $0x1;
	_ =	shalt  }
.Lfunc_end2:
_tile_overlayer_lowered:
.L_overlay_start_2:
0x128: {  	(tag) =	ssettag $0x2  }
0x129: {  	s0 =	rddreg [dreg:$0x0];
	s2 =	stileid.u32  }
0x12a: {  	s1 =	rddreg [dreg:$0x1];
	p0 =	sne.s32 s2, $0x0  }
0x12b: {  	s3 =	rddreg [dreg:$0x2];
	[bflag:$0x3] =	sbarrier.arrive $0xFFFF;
	s2 =	simm.s32 @!p0 $0x1C15  }
0x12c: {  	[timem:s3], [sflag:s2] =	dma.local @!p0 [hbm:s0], s1  }
0x12d: {  	s0 =	simm.s32 @!p0 $0x15  }
0x12e: {  	_ =	swait.ge @!p0 [sflag:s0], s1  }
0x12f: {  	s1 =	ssub.s32 @!p0 $0x0, s1;
	[sflag:s0] =	ssyncset.done @!p0 $0x0  }
0x130: {  	[sflag:s0] =	ssyncadd.s32 @!p0 s1  }
0x131: {  	[bflag:$0x3] =	sbarrier.arrive $0xFFFF  }
0x132: {  	_ =	shalt  }

</sc_bundles>
